<compile_context>
chip_gen: v7x
topology: tpu7x:2x2x1
jax: 0.10.2.dev20260603
libtpu: 0.0.44.dev20260713+nightly
codegen_flags: <defaults>
</compile_context>

<pallas_src>
import jax
import jax.numpy as jnp
from jax import lax
from jax.experimental import pallas as pl
from jax.experimental.pallas import tpu as pltpu
from jax.experimental.pallas import tpu_sc as plsc

_NC = 2
_NS = 16
_NW = _NC * _NS

_GL = 104
_CH = 8
_CHUNK = _GL * _CH


def _gather_body(x_hbm, table_hbm, out_hbm, idx_v, rows_v, gsem):
    wid = lax.axis_index("s") * _NC + lax.axis_index("c")
    N = x_hbm.shape[0]
    nt = N // _NW
    base = wid * nt

    pltpu.sync_copy(x_hbm.at[pl.ds(base, nt)], idx_v)

    scale_bits = jnp.int32(0x01800180)

    nchunks = nt // _CHUNK
    tail = nt - nchunks * _CHUNK

    def do_chunk(start, nrows):
        ngath = (nrows + _GL - 1) // _GL
        copies = []
        for g in range(ngath):
            off = g * _GL
            ln = min(_GL, nrows - off)
            copies.append(pltpu.async_copy(
                table_hbm.at[idx_v.at[pl.ds(start + off, ln)]],
                rows_v.at[pl.ds(off, ln)],
                gsem))
        for cp in copies:
            cp.wait()

        def scale_body(i, inner):
            for col in (0, 16):
                rows_v[i, pl.ds(col, 16)] = (
                    rows_v[i, pl.ds(col, 16)] + scale_bits)
            return inner
        lax.fori_loop(0, nrows, scale_body, 0, unroll=8)

        pltpu.sync_copy(
            rows_v.at[pl.ds(0, nrows)],
            out_hbm.at[pl.ds(base + start, nrows)])

    def chunk_body(c, carry):
        do_chunk(c * _CHUNK, _CHUNK)
        return carry

    lax.fori_loop(0, nchunks, chunk_body, 0)
    if tail:
        do_chunk(nchunks * _CHUNK, tail)


def kernel(x, input_embedding_table):
    B, S = x.shape
    V, D = input_embedding_table.shape
    N = B * S
    W = D // 2

    j = lax.broadcasted_iota(jnp.int32, (D, D), 0)
    k = lax.broadcasted_iota(jnp.int32, (D, D), 1)
    perm = ((k < W) & (j == 2 * k)) | ((k >= W) & (j == 2 * (k - W) + 1))
    P = perm.astype(jnp.bfloat16)

    tp = input_embedding_table @ P
    ev = lax.bitcast_convert_type(tp[:, :W], jnp.uint16).astype(jnp.uint32)
    od = lax.bitcast_convert_type(tp[:, W:], jnp.uint16).astype(jnp.uint32)
    table_i32 = lax.bitcast_convert_type(ev | (od << 16), jnp.int32)

    mesh = plsc.VectorSubcoreMesh(core_axis_name="c", subcore_axis_name="s")
    words = pl.kernel(
        _gather_body,
        out_type=jax.ShapeDtypeStruct((N, W), jnp.int32),
        mesh=mesh,
        scratch_types=[
            pltpu.VMEM((N // _NW,), jnp.int32),
            pltpu.VMEM((_CHUNK, W), jnp.int32),
            pltpu.SemaphoreType.DMA,
        ],
        compiler_params=pltpu.CompilerParams(use_tc_tiling_on_sc=False),
    )(x.reshape(N), table_i32)

    wu = lax.bitcast_convert_type(words, jnp.uint32)
    lo = lax.bitcast_convert_type(
        (wu & jnp.uint32(0xFFFF)).astype(jnp.uint16), jnp.bfloat16)
    hi = lax.bitcast_convert_type(
        (wu >> jnp.uint32(16)).astype(jnp.uint16), jnp.bfloat16)
    cat = jnp.concatenate([lo, hi], axis=1)
    out = cat @ P.T
    return out.reshape(B, S, D)

# --- scband reference (transcript-rebuilt; emitter-appended) ---
"""Pipeline reference for scband-embedder-bf16-30812095381715 (READ-ONLY COPY).

The authoritative reference and input builder live on the scoring server;
editing this copy changes nothing except your own understanding.
"""

import jax, jax.numpy as jnp
import numpy as np

VOCAB = 1000000
EMBED_DIM = 64
BATCH = 4096
SEQ = 200


def setup_inputs(seed: int = 0) -> dict:
    key = jax.random.key(seed)
    k1, k2 = jax.random.split(key)
    x = jax.random.randint(k1, (BATCH, SEQ), 0, VOCAB, dtype=jnp.int64 if jax.config.jax_enable_x64 else jnp.int32)
    # input_embedding param: nn.initializers.normal() (stddev=0.01), stored in bfloat16
    table = (jax.random.normal(k2, (VOCAB, EMBED_DIM), dtype=jnp.float32) * 0.01).astype(jnp.bfloat16)
    return {"x": x, "input_embedding_table": table}


def reference(x, input_embedding_table):
    # EmbedderBF16.encode: gather rows then scale by sqrt(embed_dim),
    # all arithmetic in the table's (bfloat16) dtype, matching the flax module.
    embed_dim = input_embedding_table.shape[-1]
    out = input_embedding_table[x,]
    out = out * jnp.sqrt(jnp.float32(embed_dim)).astype(out.dtype)
    return out

if __name__ == "__main__":
    import jax
    _d = setup_inputs()
    print(jax.jit(kernel)(*tuple(_d.values())))

</pallas_src>

<mosaic_0001>
#map = affine_map<(d0, d1) -> (0)>
#map1 = affine_map<(d0, d1) -> (0, 0)>
module attributes {stable_mosaic.version = 14 : i64} {
  func.func @_gather_body(%arg0: i32, %arg1: i32, %arg2: memref<819200xi32, #tpu.memory_space<hbm>>, %arg3: memref<1000000x32xi32, #tpu.memory_space<hbm>>, %arg4: memref<819200x32xi32, #tpu.memory_space<hbm>>, %arg5: memref<25600xi32, #tpu.memory_space<vmem>>, %arg6: memref<832x32xi32, #tpu.memory_space<vmem>>, %arg7: memref<!tpu.dma_semaphore, #tpu.memory_space<semaphore_mem>>) attributes {dimension_semantics = [#tpu.dimension_semantics<core_parallel>, #tpu.dimension_semantics<subcore_parallel>], iteration_bounds = array<i64: 2, 16>, scalar_prefetch = 0 : i64, scratch_operands = 3 : i64, tpu.core_type = #tpu.core_type<sc_vector_subcore>, window_params = [{transform_indices = #map}, {transform_indices = #map1}, {transform_indices = #map1}]} {
    %mul3A = arith.constant 2 : i32
    %mul3A_0 = arith.muli %arg1, %mul3A : i32
    %add3A = arith.addi %mul3A_0, %arg0 : i32
    %mul3A_1 = arith.constant 25600 : i32
    %mul3A_2 = arith.muli %add3A, %mul3A_1 : i32
    "tpu.region"() ({
      %run_scoped3A = tpu.sem_alloc : memref<!tpu.dma_semaphore, #tpu.memory_space<semaphore_mem>>
      %dma_start3A_128 = tpu.memref_slice %arg2[%mul3A_2] : memref<819200xi32, #tpu.memory_space<hbm>> -> memref<25600xi32, #tpu.memory_space<hbm>>
      %dma_start3A_129 = tpu.memref_slice %arg2[%mul3A_2] : memref<819200xi32, #tpu.memory_space<hbm>> -> memref<25600xi32, #tpu.memory_space<hbm>>
      tpu.enqueue_dma source(%dma_start3A_129 : memref<25600xi32, #tpu.memory_space<hbm>>) target(%arg5 : memref<25600xi32, #tpu.memory_space<vmem>>) target_semaphore(%run_scoped3A : memref<!tpu.dma_semaphore, #tpu.memory_space<semaphore_mem>>)
      %dma_wait3A_130 = tpu.memref_slice %arg2[%mul3A_2] : memref<819200xi32, #tpu.memory_space<hbm>> -> memref<25600xi32, #tpu.memory_space<hbm>>
      %dma_wait3A_131 = tpu.memref_slice %arg2[%mul3A_2] : memref<819200xi32, #tpu.memory_space<hbm>> -> memref<25600xi32, #tpu.memory_space<hbm>>
      tpu.wait_dma2 semaphore(%run_scoped3A : memref<!tpu.dma_semaphore, #tpu.memory_space<semaphore_mem>>) src(%dma_wait3A_131 : memref<25600xi32, #tpu.memory_space<hbm>>) dst(%arg5 : memref<25600xi32, #tpu.memory_space<vmem>>)
      tpu.yield
    }) : () -> ()
    %scan3A = arith.constant 0 : i32
    %scan3A_3 = arith.constant 25166208 : i32
    %scan3A_4 = arith.constant 0 : i32
    %scan3A_5 = arith.constant 30 : i32
    %scan3A_6 = arith.addi %scan3A_4, %scan3A_5 : i32
    %scan3A_7 = arith.constant 1 : i32
    scf.for %scan3A_128 = %scan3A_4 to %scan3A_6 step %scan3A_7  : i32 {
      %mul3A_129 = arith.constant 832 : i32
      %mul3A_130 = arith.muli %scan3A_128, %mul3A_129 : i32
      %add3A_131 = arith.constant 0 : i32
      %add3A_132 = arith.addi %mul3A_130, %add3A_131 : i32
      %dma_start3A_133 = arith.constant 0 : i32
      %dma_start3A_134 = arith.constant 0 : i32
      %dma_start3A_135 = tpu.memref_slice %arg6[%dma_start3A_133, %dma_start3A_134] : memref<832x32xi32, #tpu.memory_space<vmem>> -> memref<104x32xi32, #tpu.memory_space<vmem>>
      %dma_start3A_136 = tpu.memref_slice %arg5[%add3A_132] : memref<25600xi32, #tpu.memory_space<vmem>> -> memref<104xi32, #tpu.memory_space<vmem>>
      %dma_start3A_137 = arith.constant 0 : i32
      %dma_start3A_138 = arith.constant 0 : i32
      %dma_start3A_139 = tpu.memref_slice %arg3[%dma_start3A_137, %dma_start3A_138] : memref<1000000x32xi32, #tpu.memory_space<hbm>> -> memref<1000000x32xi32, #tpu.memory_space<hbm>>
      tpu.enqueue_indirect_dma source(%dma_start3A_139 : memref<1000000x32xi32, #tpu.memory_space<hbm>>) target(%dma_start3A_135 : memref<104x32xi32, #tpu.memory_space<vmem>>) offsets(%dma_start3A_136 : memref<104xi32, #tpu.memory_space<vmem>>) semaphore(%arg7 : memref<!tpu.dma_semaphore, #tpu.memory_space<semaphore_mem>>)
      %add3A_140 = arith.constant 104 : i32
      %add3A_141 = arith.addi %mul3A_130, %add3A_140 : i32
      %dma_start3A_142 = arith.constant 104 : i32
      %dma_start3A_143 = arith.constant 0 : i32
      %dma_start3A_144 = tpu.memref_slice %arg6[%dma_start3A_142, %dma_start3A_143] : memref<832x32xi32, #tpu.memory_space<vmem>> -> memref<104x32xi32, #tpu.memory_space<vmem>>
      %dma_start3A_145 = tpu.memref_slice %arg5[%add3A_141] : memref<25600xi32, #tpu.memory_space<vmem>> -> memref<104xi32, #tpu.memory_space<vmem>>
      %dma_start3A_146 = arith.constant 0 : i32
      %dma_start3A_147 = arith.constant 0 : i32
      %dma_start3A_148 = tpu.memref_slice %arg3[%dma_start3A_146, %dma_start3A_147] : memref<1000000x32xi32, #tpu.memory_space<hbm>> -> memref<1000000x32xi32, #tpu.memory_space<hbm>>
      tpu.enqueue_indirect_dma source(%dma_start3A_148 : memref<1000000x32xi32, #tpu.memory_space<hbm>>) target(%dma_start3A_144 : memref<104x32xi32, #tpu.memory_space<vmem>>) offsets(%dma_start3A_145 : memref<104xi32, #tpu.memory_space<vmem>>) semaphore(%arg7 : memref<!tpu.dma_semaphore, #tpu.memory_space<semaphore_mem>>)
      %add3A_149 = arith.constant 208 : i32
      %add3A_150 = arith.addi %mul3A_130, %add3A_149 : i32
      %dma_start3A_151 = arith.constant 208 : i32
      %dma_start3A_152 = arith.constant 0 : i32
      %dma_start3A_153 = tpu.memref_slice %arg6[%dma_start3A_151, %dma_start3A_152] : memref<832x32xi32, #tpu.memory_space<vmem>> -> memref<104x32xi32, #tpu.memory_space<vmem>>
      %dma_start3A_154 = tpu.memref_slice %arg5[%add3A_150] : memref<25600xi32, #tpu.memory_space<vmem>> -> memref<104xi32, #tpu.memory_space<vmem>>
      %dma_start3A_155 = arith.constant 0 : i32
      %dma_start3A_156 = arith.constant 0 : i32
      %dma_start3A_157 = tpu.memref_slice %arg3[%dma_start3A_155, %dma_start3A_156] : memref<1000000x32xi32, #tpu.memory_space<hbm>> -> memref<1000000x32xi32, #tpu.memory_space<hbm>>
      tpu.enqueue_indirect_dma source(%dma_start3A_157 : memref<1000000x32xi32, #tpu.memory_space<hbm>>) target(%dma_start3A_153 : memref<104x32xi32, #tpu.memory_space<vmem>>) offsets(%dma_start3A_154 : memref<104xi32, #tpu.memory_space<vmem>>) semaphore(%arg7 : memref<!tpu.dma_semaphore, #tpu.memory_space<semaphore_mem>>)
      %add3A_158 = arith.constant 312 : i32
      %add3A_159 = arith.addi %mul3A_130, %add3A_158 : i32
      %dma_start3A_160 = arith.constant 312 : i32
      %dma_start3A_161 = arith.constant 0 : i32
      %dma_start3A_162 = tpu.memref_slice %arg6[%dma_start3A_160, %dma_start3A_161] : memref<832x32xi32, #tpu.memory_space<vmem>> -> memref<104x32xi32, #tpu.memory_space<vmem>>
      %dma_start3A_163 = tpu.memref_slice %arg5[%add3A_159] : memref<25600xi32, #tpu.memory_space<vmem>> -> memref<104xi32, #tpu.memory_space<vmem>>
      %dma_start3A_164 = arith.constant 0 : i32
      %dma_start3A_165 = arith.constant 0 : i32
      %dma_start3A_166 = tpu.memref_slice %arg3[%dma_start3A_164, %dma_start3A_165] : memref<1000000x32xi32, #tpu.memory_space<hbm>> -> memref<1000000x32xi32, #tpu.memory_space<hbm>>
      tpu.enqueue_indirect_dma source(%dma_start3A_166 : memref<1000000x32xi32, #tpu.memory_space<hbm>>) target(%dma_start3A_162 : memref<104x32xi32, #tpu.memory_space<vmem>>) offsets(%dma_start3A_163 : memref<104xi32, #tpu.memory_space<vmem>>) semaphore(%arg7 : memref<!tpu.dma_semaphore, #tpu.memory_space<semaphore_mem>>)
      %add3A_167 = arith.constant 416 : i32
      %add3A_168 = arith.addi %mul3A_130, %add3A_167 : i32
      %dma_start3A_169 = arith.constant 416 : i32
      %dma_start3A_170 = arith.constant 0 : i32
      %dma_start3A_171 = tpu.memref_slice %arg6[%dma_start3A_169, %dma_start3A_170] : memref<832x32xi32, #tpu.memory_space<vmem>> -> memref<104x32xi32, #tpu.memory_space<vmem>>
      %dma_start3A_172 = tpu.memref_slice %arg5[%add3A_168] : memref<25600xi32, #tpu.memory_space<vmem>> -> memref<104xi32, #tpu.memory_space<vmem>>
      %dma_start3A_173 = arith.constant 0 : i32
      %dma_start3A_174 = arith.constant 0 : i32
      %dma_start3A_175 = tpu.memref_slice %arg3[%dma_start3A_173, %dma_start3A_174] : memref<1000000x32xi32, #tpu.memory_space<hbm>> -> memref<1000000x32xi32, #tpu.memory_space<hbm>>
      tpu.enqueue_indirect_dma source(%dma_start3A_175 : memref<1000000x32xi32, #tpu.memory_space<hbm>>) target(%dma_start3A_171 : memref<104x32xi32, #tpu.memory_space<vmem>>) offsets(%dma_start3A_172 : memref<104xi32, #tpu.memory_space<vmem>>) semaphore(%arg7 : memref<!tpu.dma_semaphore, #tpu.memory_space<semaphore_mem>>)
      %add3A_176 = arith.constant 520 : i32
      %add3A_177 = arith.addi %mul3A_130, %add3A_176 : i32
      %dma_start3A_178 = arith.constant 520 : i32
      %dma_start3A_179 = arith.constant 0 : i32
      %dma_start3A_180 = tpu.memref_slice %arg6[%dma_start3A_178, %dma_start3A_179] : memref<832x32xi32, #tpu.memory_space<vmem>> -> memref<104x32xi32, #tpu.memory_space<vmem>>
      %dma_start3A_181 = tpu.memref_slice %arg5[%add3A_177] : memref<25600xi32, #tpu.memory_space<vmem>> -> memref<104xi32, #tpu.memory_space<vmem>>
      %dma_start3A_182 = arith.constant 0 : i32
      %dma_start3A_183 = arith.constant 0 : i32
      %dma_start3A_184 = tpu.memref_slice %arg3[%dma_start3A_182, %dma_start3A_183] : memref<1000000x32xi32, #tpu.memory_space<hbm>> -> memref<1000000x32xi32, #tpu.memory_space<hbm>>
      tpu.enqueue_indirect_dma source(%dma_start3A_184 : memref<1000000x32xi32, #tpu.memory_space<hbm>>) target(%dma_start3A_180 : memref<104x32xi32, #tpu.memory_space<vmem>>) offsets(%dma_start3A_181 : memref<104xi32, #tpu.memory_space<vmem>>) semaphore(%arg7 : memref<!tpu.dma_semaphore, #tpu.memory_space<semaphore_mem>>)
      %add3A_185 = arith.constant 624 : i32
      %add3A_186 = arith.addi %mul3A_130, %add3A_185 : i32
      %dma_start3A_187 = arith.constant 624 : i32
      %dma_start3A_188 = arith.constant 0 : i32
      %dma_start3A_189 = tpu.memref_slice %arg6[%dma_start3A_187, %dma_start3A_188] : memref<832x32xi32, #tpu.memory_space<vmem>> -> memref<104x32xi32, #tpu.memory_space<vmem>>
      %dma_start3A_190 = tpu.memref_slice %arg5[%add3A_186] : memref<25600xi32, #tpu.memory_space<vmem>> -> memref<104xi32, #tpu.memory_space<vmem>>
      %dma_start3A_191 = arith.constant 0 : i32
      %dma_start3A_192 = arith.constant 0 : i32
      %dma_start3A_193 = tpu.memref_slice %arg3[%dma_start3A_191, %dma_start3A_192] : memref<1000000x32xi32, #tpu.memory_space<hbm>> -> memref<1000000x32xi32, #tpu.memory_space<hbm>>
      tpu.enqueue_indirect_dma source(%dma_start3A_193 : memref<1000000x32xi32, #tpu.memory_space<hbm>>) target(%dma_start3A_189 : memref<104x32xi32, #tpu.memory_space<vmem>>) offsets(%dma_start3A_190 : memref<104xi32, #tpu.memory_space<vmem>>) semaphore(%arg7 : memref<!tpu.dma_semaphore, #tpu.memory_space<semaphore_mem>>)
      %add3A_194 = arith.constant 728 : i32
      %add3A_195 = arith.addi %mul3A_130, %add3A_194 : i32
      %dma_start3A_196 = arith.constant 728 : i32
      %dma_start3A_197 = arith.constant 0 : i32
      %dma_start3A_198 = tpu.memref_slice %arg6[%dma_start3A_196, %dma_start3A_197] : memref<832x32xi32, #tpu.memory_space<vmem>> -> memref<104x32xi32, #tpu.memory_space<vmem>>
      %dma_start3A_199 = tpu.memref_slice %arg5[%add3A_195] : memref<25600xi32, #tpu.memory_space<vmem>> -> memref<104xi32, #tpu.memory_space<vmem>>
      %dma_start3A_200 = arith.constant 0 : i32
      %dma_start3A_201 = arith.constant 0 : i32
      %dma_start3A_202 = tpu.memref_slice %arg3[%dma_start3A_200, %dma_start3A_201] : memref<1000000x32xi32, #tpu.memory_space<hbm>> -> memref<1000000x32xi32, #tpu.memory_space<hbm>>
      tpu.enqueue_indirect_dma source(%dma_start3A_202 : memref<1000000x32xi32, #tpu.memory_space<hbm>>) target(%dma_start3A_198 : memref<104x32xi32, #tpu.memory_space<vmem>>) offsets(%dma_start3A_199 : memref<104xi32, #tpu.memory_space<vmem>>) semaphore(%arg7 : memref<!tpu.dma_semaphore, #tpu.memory_space<semaphore_mem>>)
      %dma_wait3A_203 = arith.constant 0 : i32
      %dma_wait3A_204 = arith.constant 0 : i32
      %dma_wait3A_205 = tpu.memref_slice %arg6[%dma_wait3A_203, %dma_wait3A_204] : memref<832x32xi32, #tpu.memory_space<vmem>> -> memref<104x32xi32, #tpu.memory_space<vmem>>
      %dma_wait3A_206 = tpu.memref_slice %arg5[%add3A_132] : memref<25600xi32, #tpu.memory_space<vmem>> -> memref<104xi32, #tpu.memory_space<vmem>>
      %dma_wait3A_207 = arith.constant 0 : i32
      %dma_wait3A_208 = arith.constant 0 : i32
      %dma_wait3A_209 = tpu.memref_slice %arg3[%dma_wait3A_207, %dma_wait3A_208] : memref<1000000x32xi32, #tpu.memory_space<hbm>> -> memref<1000000x32xi32, #tpu.memory_space<hbm>>
      tpu.wait_indirect_dma semaphore(%arg7 : memref<!tpu.dma_semaphore, #tpu.memory_space<semaphore_mem>>) src(%dma_wait3A_209 : memref<1000000x32xi32, #tpu.memory_space<hbm>>) dst(%dma_wait3A_205 : memref<104x32xi32, #tpu.memory_space<vmem>>)
      %dma_wait3A_210 = arith.constant 104 : i32
      %dma_wait3A_211 = arith.constant 0 : i32
      %dma_wait3A_212 = tpu.memref_slice %arg6[%dma_wait3A_210, %dma_wait3A_211] : memref<832x32xi32, #tpu.memory_space<vmem>> -> memref<104x32xi32, #tpu.memory_space<vmem>>
      %dma_wait3A_213 = tpu.memref_slice %arg5[%add3A_141] : memref<25600xi32, #tpu.memory_space<vmem>> -> memref<104xi32, #tpu.memory_space<vmem>>
      %dma_wait3A_214 = arith.constant 0 : i32
      %dma_wait3A_215 = arith.constant 0 : i32
      %dma_wait3A_216 = tpu.memref_slice %arg3[%dma_wait3A_214, %dma_wait3A_215] : memref<1000000x32xi32, #tpu.memory_space<hbm>> -> memref<1000000x32xi32, #tpu.memory_space<hbm>>
      tpu.wait_indirect_dma semaphore(%arg7 : memref<!tpu.dma_semaphore, #tpu.memory_space<semaphore_mem>>) src(%dma_wait3A_216 : memref<1000000x32xi32, #tpu.memory_space<hbm>>) dst(%dma_wait3A_212 : memref<104x32xi32, #tpu.memory_space<vmem>>)
      %dma_wait3A_217 = arith.constant 208 : i32
      %dma_wait3A_218 = arith.constant 0 : i32
      %dma_wait3A_219 = tpu.memref_slice %arg6[%dma_wait3A_217, %dma_wait3A_218] : memref<832x32xi32, #tpu.memory_space<vmem>> -> memref<104x32xi32, #tpu.memory_space<vmem>>
      %dma_wait3A_220 = tpu.memref_slice %arg5[%add3A_150] : memref<25600xi32, #tpu.memory_space<vmem>> -> memref<104xi32, #tpu.memory_space<vmem>>
      %dma_wait3A_221 = arith.constant 0 : i32
      %dma_wait3A_222 = arith.constant 0 : i32
      %dma_wait3A_223 = tpu.memref_slice %arg3[%dma_wait3A_221, %dma_wait3A_222] : memref<1000000x32xi32, #tpu.memory_space<hbm>> -> memref<1000000x32xi32, #tpu.memory_space<hbm>>
      tpu.wait_indirect_dma semaphore(%arg7 : memref<!tpu.dma_semaphore, #tpu.memory_space<semaphore_mem>>) src(%dma_wait3A_223 : memref<1000000x32xi32, #tpu.memory_space<hbm>>) dst(%dma_wait3A_219 : memref<104x32xi32, #tpu.memory_space<vmem>>)
      %dma_wait3A_224 = arith.constant 312 : i32
      %dma_wait3A_225 = arith.constant 0 : i32
      %dma_wait3A_226 = tpu.memref_slice %arg6[%dma_wait3A_224, %dma_wait3A_225] : memref<832x32xi32, #tpu.memory_space<vmem>> -> memref<104x32xi32, #tpu.memory_space<vmem>>
      %dma_wait3A_227 = tpu.memref_slice %arg5[%add3A_159] : memref<25600xi32, #tpu.memory_space<vmem>> -> memref<104xi32, #tpu.memory_space<vmem>>
      %dma_wait3A_228 = arith.constant 0 : i32
      %dma_wait3A_229 = arith.constant 0 : i32
      %dma_wait3A_230 = tpu.memref_slice %arg3[%dma_wait3A_228, %dma_wait3A_229] : memref<1000000x32xi32, #tpu.memory_space<hbm>> -> memref<1000000x32xi32, #tpu.memory_space<hbm>>
      tpu.wait_indirect_dma semaphore(%arg7 : memref<!tpu.dma_semaphore, #tpu.memory_space<semaphore_mem>>) src(%dma_wait3A_230 : memref<1000000x32xi32, #tpu.memory_space<hbm>>) dst(%dma_wait3A_226 : memref<104x32xi32, #tpu.memory_space<vmem>>)
      %dma_wait3A_231 = arith.constant 416 : i32
      %dma_wait3A_232 = arith.constant 0 : i32
      %dma_wait3A_233 = tpu.memref_slice %arg6[%dma_wait3A_231, %dma_wait3A_232] : memref<832x32xi32, #tpu.memory_space<vmem>> -> memref<104x32xi32, #tpu.memory_space<vmem>>
      %dma_wait3A_234 = tpu.memref_slice %arg5[%add3A_168] : memref<25600xi32, #tpu.memory_space<vmem>> -> memref<104xi32, #tpu.memory_space<vmem>>
      %dma_wait3A_235 = arith.constant 0 : i32
      %dma_wait3A_236 = arith.constant 0 : i32
      %dma_wait3A_237 = tpu.memref_slice %arg3[%dma_wait3A_235, %dma_wait3A_236] : memref<1000000x32xi32, #tpu.memory_space<hbm>> -> memref<1000000x32xi32, #tpu.memory_space<hbm>>
      tpu.wait_indirect_dma semaphore(%arg7 : memref<!tpu.dma_semaphore, #tpu.memory_space<semaphore_mem>>) src(%dma_wait3A_237 : memref<1000000x32xi32, #tpu.memory_space<hbm>>) dst(%dma_wait3A_233 : memref<104x32xi32, #tpu.memory_space<vmem>>)
      %dma_wait3A_238 = arith.constant 520 : i32
      %dma_wait3A_239 = arith.constant 0 : i32
      %dma_wait3A_240 = tpu.memref_slice %arg6[%dma_wait3A_238, %dma_wait3A_239] : memref<832x32xi32, #tpu.memory_space<vmem>> -> memref<104x32xi32, #tpu.memory_space<vmem>>
      %dma_wait3A_241 = tpu.memref_slice %arg5[%add3A_177] : memref<25600xi32, #tpu.memory_space<vmem>> -> memref<104xi32, #tpu.memory_space<vmem>>
      %dma_wait3A_242 = arith.constant 0 : i32
      %dma_wait3A_243 = arith.constant 0 : i32
      %dma_wait3A_244 = tpu.memref_slice %arg3[%dma_wait3A_242, %dma_wait3A_243] : memref<1000000x32xi32, #tpu.memory_space<hbm>> -> memref<1000000x32xi32, #tpu.memory_space<hbm>>
      tpu.wait_indirect_dma semaphore(%arg7 : memref<!tpu.dma_semaphore, #tpu.memory_space<semaphore_mem>>) src(%dma_wait3A_244 : memref<1000000x32xi32, #tpu.memory_space<hbm>>) dst(%dma_wait3A_240 : memref<104x32xi32, #tpu.memory_space<vmem>>)
      %dma_wait3A_245 = arith.constant 624 : i32
      %dma_wait3A_246 = arith.constant 0 : i32
      %dma_wait3A_247 = tpu.memref_slice %arg6[%dma_wait3A_245, %dma_wait3A_246] : memref<832x32xi32, #tpu.memory_space<vmem>> -> memref<104x32xi32, #tpu.memory_space<vmem>>
      %dma_wait3A_248 = tpu.memref_slice %arg5[%add3A_186] : memref<25600xi32, #tpu.memory_space<vmem>> -> memref<104xi32, #tpu.memory_space<vmem>>
      %dma_wait3A_249 = arith.constant 0 : i32
      %dma_wait3A_250 = arith.constant 0 : i32
      %dma_wait3A_251 = tpu.memref_slice %arg3[%dma_wait3A_249, %dma_wait3A_250] : memref<1000000x32xi32, #tpu.memory_space<hbm>> -> memref<1000000x32xi32, #tpu.memory_space<hbm>>
      tpu.wait_indirect_dma semaphore(%arg7 : memref<!tpu.dma_semaphore, #tpu.memory_space<semaphore_mem>>) src(%dma_wait3A_251 : memref<1000000x32xi32, #tpu.memory_space<hbm>>) dst(%dma_wait3A_247 : memref<104x32xi32, #tpu.memory_space<vmem>>)
      %dma_wait3A_252 = arith.constant 728 : i32
      %dma_wait3A_253 = arith.constant 0 : i32
      %dma_wait3A_254 = tpu.memref_slice %arg6[%dma_wait3A_252, %dma_wait3A_253] : memref<832x32xi32, #tpu.memory_space<vmem>> -> memref<104x32xi32, #tpu.memory_space<vmem>>
      %dma_wait3A_255 = tpu.memref_slice %arg5[%add3A_195] : memref<25600xi32, #tpu.memory_space<vmem>> -> memref<104xi32, #tpu.memory_space<vmem>>
      %dma_wait3A_256 = arith.constant 0 : i32
      %dma_wait3A_257 = arith.constant 0 : i32
      %dma_wait3A_258 = tpu.memref_slice %arg3[%dma_wait3A_256, %dma_wait3A_257] : memref<1000000x32xi32, #tpu.memory_space<hbm>> -> memref<1000000x32xi32, #tpu.memory_space<hbm>>
      tpu.wait_indirect_dma semaphore(%arg7 : memref<!tpu.dma_semaphore, #tpu.memory_space<semaphore_mem>>) src(%dma_wait3A_258 : memref<1000000x32xi32, #tpu.memory_space<hbm>>) dst(%dma_wait3A_254 : memref<104x32xi32, #tpu.memory_space<vmem>>)
      %scan3A_259 = arith.constant 0 : i32
      %scan3A_260 = arith.constant 0 : i32
      %scan3A_261 = arith.constant 832 : i32
      %scan3A_262 = arith.addi %scan3A_260, %scan3A_261 : i32
      %scan3A_263 = arith.constant 8 : i32
      scf.for %scan3A_266 = %scan3A_260 to %scan3A_262 step %scan3A_263  : i32 {
        %get3A = arith.index_cast %scan3A_266 : i32 to index
        %get3A_267 = arith.constant 0 : index
        %get3A_268 = tpu.vector_load %arg6[%get3A, %get3A_267] {strides = array<i32>} : memref<832x32xi32, #tpu.memory_space<vmem>>, vector<1x16xi32>,
        %get3A_269 = vector.shape_cast %get3A_268 : vector<1x16xi32> to vector<16xi32>
        %add3A_270 = vector.broadcast %scan3A_3 : i32 to vector<16xi32>
        %add3A_271 = arith.addi %get3A_269, %add3A_270 : vector<16xi32>
        %swap3A = arith.index_cast %scan3A_266 : i32 to index
        %swap3A_272 = arith.constant 0 : index
        %swap3A_273 = tpu.vector_load %arg6[%swap3A, %swap3A_272] {strides = array<i32>} : memref<832x32xi32, #tpu.memory_space<vmem>>, vector<1x16xi32>,
        %swap3A_274 = vector.shape_cast %swap3A_273 : vector<1x16xi32> to vector<16xi32>
        %swap3A_275 = vector.shape_cast %add3A_271 : vector<16xi32> to vector<1x16xi32>
        tpu.vector_store %arg6[%swap3A, %swap3A_272], %swap3A_275 {strides = array<i32>} : memref<832x32xi32, #tpu.memory_space<vmem>>, vector<1x16xi32>,
        %get3A_276 = arith.index_cast %scan3A_266 : i32 to index
        %get3A_277 = arith.constant 16 : index
        %get3A_278 = tpu.vector_load %arg6[%get3A_276, %get3A_277] {strides = array<i32>} : memref<832x32xi32, #tpu.memory_space<vmem>>, vector<1x16xi32>,
        %get3A_279 = vector.shape_cast %get3A_278 : vector<1x16xi32> to vector<16xi32>
        %add3A_280 = vector.broadcast %scan3A_3 : i32 to vector<16xi32>
        %add3A_281 = arith.addi %get3A_279, %add3A_280 : vector<16xi32>
        %swap3A_282 = arith.index_cast %scan3A_266 : i32 to index
        %swap3A_283 = arith.constant 16 : index
        %swap3A_284 = tpu.vector_load %arg6[%swap3A_282, %swap3A_283] {strides = array<i32>} : memref<832x32xi32, #tpu.memory_space<vmem>>, vector<1x16xi32>,
        %swap3A_285 = vector.shape_cast %swap3A_284 : vector<1x16xi32> to vector<16xi32>
        %swap3A_286 = vector.shape_cast %add3A_281 : vector<16xi32> to vector<1x16xi32>
        tpu.vector_store %arg6[%swap3A_282, %swap3A_283], %swap3A_286 {strides = array<i32>} : memref<832x32xi32, #tpu.memory_space<vmem>>, vector<1x16xi32>,
        %scan3A_287 = arith.constant 1 : i32
        %scan3A_288 = arith.addi %scan3A_266, %scan3A_287 : i32
        %get3A_289 = arith.index_cast %scan3A_288 : i32 to index
        %get3A_290 = arith.constant 0 : index
        %get3A_291 = tpu.vector_load %arg6[%get3A_289, %get3A_290] {strides = array<i32>} : memref<832x32xi32, #tpu.memory_space<vmem>>, vector<1x16xi32>,
        %get3A_292 = vector.shape_cast %get3A_291 : vector<1x16xi32> to vector<16xi32>
        %add3A_293 = vector.broadcast %scan3A_3 : i32 to vector<16xi32>
        %add3A_294 = arith.addi %get3A_292, %add3A_293 : vector<16xi32>
        %swap3A_295 = arith.index_cast %scan3A_288 : i32 to index
        %swap3A_296 = arith.constant 0 : index
        %swap3A_297 = tpu.vector_load %arg6[%swap3A_295, %swap3A_296] {strides = array<i32>} : memref<832x32xi32, #tpu.memory_space<vmem>>, vector<1x16xi32>,
        %swap3A_298 = vector.shape_cast %swap3A_297 : vector<1x16xi32> to vector<16xi32>
        %swap3A_299 = vector.shape_cast %add3A_294 : vector<16xi32> to vector<1x16xi32>
        tpu.vector_store %arg6[%swap3A_295, %swap3A_296], %swap3A_299 {strides = array<i32>} : memref<832x32xi32, #tpu.memory_space<vmem>>, vector<1x16xi32>,
        %get3A_300 = arith.index_cast %scan3A_288 : i32 to index
        %get3A_301 = arith.constant 16 : index
        %get3A_302 = tpu.vector_load %arg6[%get3A_300, %get3A_301] {strides = array<i32>} : memref<832x32xi32, #tpu.memory_space<vmem>>, vector<1x16xi32>,
        %get3A_303 = vector.shape_cast %get3A_302 : vector<1x16xi32> to vector<16xi32>
        %add3A_304 = vector.broadcast %scan3A_3 : i32 to vector<16xi32>
        %add3A_305 = arith.addi %get3A_303, %add3A_304 : vector<16xi32>
        %swap3A_306 = arith.index_cast %scan3A_288 : i32 to index
        %swap3A_307 = arith.constant 16 : index
        %swap3A_308 = tpu.vector_load %arg6[%swap3A_306, %swap3A_307] {strides = array<i32>} : memref<832x32xi32, #tpu.memory_space<vmem>>, vector<1x16xi32>,
        %swap3A_309 = vector.shape_cast %swap3A_308 : vector<1x16xi32> to vector<16xi32>
        %swap3A_310 = vector.shape_cast %add3A_305 : vector<16xi32> to vector<1x16xi32>
        tpu.vector_store %arg6[%swap3A_306, %swap3A_307], %swap3A_310 {strides = array<i32>} : memref<832x32xi32, #tpu.memory_space<vmem>>, vector<1x16xi32>,
        %scan3A_311 = arith.constant 2 : i32
        %scan3A_312 = arith.addi %scan3A_266, %scan3A_311 : i32
        %get3A_313 = arith.index_cast %scan3A_312 : i32 to index
        %get3A_314 = arith.constant 0 : index
        %get3A_315 = tpu.vector_load %arg6[%get3A_313, %get3A_314] {strides = array<i32>} : memref<832x32xi32, #tpu.memory_space<vmem>>, vector<1x16xi32>,
        %get3A_316 = vector.shape_cast %get3A_315 : vector<1x16xi32> to vector<16xi32>
        %add3A_317 = vector.broadcast %scan3A_3 : i32 to vector<16xi32>
        %add3A_318 = arith.addi %get3A_316, %add3A_317 : vector<16xi32>
        %swap3A_319 = arith.index_cast %scan3A_312 : i32 to index
        %swap3A_320 = arith.constant 0 : index
        %swap3A_321 = tpu.vector_load %arg6[%swap3A_319, %swap3A_320] {strides = array<i32>} : memref<832x32xi32, #tpu.memory_space<vmem>>, vector<1x16xi32>,
        %swap3A_322 = vector.shape_cast %swap3A_321 : vector<1x16xi32> to vector<16xi32>
        %swap3A_323 = vector.shape_cast %add3A_318 : vector<16xi32> to vector<1x16xi32>
        tpu.vector_store %arg6[%swap3A_319, %swap3A_320], %swap3A_323 {strides = array<i32>} : memref<832x32xi32, #tpu.memory_space<vmem>>, vector<1x16xi32>,
        %get3A_324 = arith.index_cast %scan3A_312 : i32 to index
        %get3A_325 = arith.constant 16 : index
        %get3A_326 = tpu.vector_load %arg6[%get3A_324, %get3A_325] {strides = array<i32>} : memref<832x32xi32, #tpu.memory_space<vmem>>, vector<1x16xi32>,
        %get3A_327 = vector.shape_cast %get3A_326 : vector<1x16xi32> to vector<16xi32>
        %add3A_328 = vector.broadcast %scan3A_3 : i32 to vector<16xi32>
        %add3A_329 = arith.addi %get3A_327, %add3A_328 : vector<16xi32>
        %swap3A_330 = arith.index_cast %scan3A_312 : i32 to index
        %swap3A_331 = arith.constant 16 : index
        %swap3A_332 = tpu.vector_load %arg6[%swap3A_330, %swap3A_331] {strides = array<i32>} : memref<832x32xi32, #tpu.memory_space<vmem>>, vector<1x16xi32>,
        %swap3A_333 = vector.shape_cast %swap3A_332 : vector<1x16xi32> to vector<16xi32>
        %swap3A_334 = vector.shape_cast %add3A_329 : vector<16xi32> to vector<1x16xi32>
        tpu.vector_store %arg6[%swap3A_330, %swap3A_331], %swap3A_334 {strides = array<i32>} : memref<832x32xi32, #tpu.memory_space<vmem>>, vector<1x16xi32>,
        %scan3A_335 = arith.constant 3 : i32
        %scan3A_336 = arith.addi %scan3A_266, %scan3A_335 : i32
        %get3A_337 = arith.index_cast %scan3A_336 : i32 to index
        %get3A_338 = arith.constant 0 : index
        %get3A_339 = tpu.vector_load %arg6[%get3A_337, %get3A_338] {strides = array<i32>} : memref<832x32xi32, #tpu.memory_space<vmem>>, vector<1x16xi32>,
        %get3A_340 = vector.shape_cast %get3A_339 : vector<1x16xi32> to vector<16xi32>
        %add3A_341 = vector.broadcast %scan3A_3 : i32 to vector<16xi32>
        %add3A_342 = arith.addi %get3A_340, %add3A_341 : vector<16xi32>
        %swap3A_343 = arith.index_cast %scan3A_336 : i32 to index
        %swap3A_344 = arith.constant 0 : index
        %swap3A_345 = tpu.vector_load %arg6[%swap3A_343, %swap3A_344] {strides = array<i32>} : memref<832x32xi32, #tpu.memory_space<vmem>>, vector<1x16xi32>,
        %swap3A_346 = vector.shape_cast %swap3A_345 : vector<1x16xi32> to vector<16xi32>
        %swap3A_347 = vector.shape_cast %add3A_342 : vector<16xi32> to vector<1x16xi32>
        tpu.vector_store %arg6[%swap3A_343, %swap3A_344], %swap3A_347 {strides = array<i32>} : memref<832x32xi32, #tpu.memory_space<vmem>>, vector<1x16xi32>,
        %get3A_348 = arith.index_cast %scan3A_336 : i32 to index
        %get3A_349 = arith.constant 16 : index
        %get3A_350 = tpu.vector_load %arg6[%get3A_348, %get3A_349] {strides = array<i32>} : memref<832x32xi32, #tpu.memory_space<vmem>>, vector<1x16xi32>,
        %get3A_351 = vector.shape_cast %get3A_350 : vector<1x16xi32> to vector<16xi32>
        %add3A_352 = vector.broadcast %scan3A_3 : i32 to vector<16xi32>
        %add3A_353 = arith.addi %get3A_351, %add3A_352 : vector<16xi32>
        %swap3A_354 = arith.index_cast %scan3A_336 : i32 to index
        %swap3A_355 = arith.constant 16 : index
        %swap3A_356 = tpu.vector_load %arg6[%swap3A_354, %swap3A_355] {strides = array<i32>} : memref<832x32xi32, #tpu.memory_space<vmem>>, vector<1x16xi32>,
        %swap3A_357 = vector.shape_cast %swap3A_356 : vector<1x16xi32> to vector<16xi32>
        %swap3A_358 = vector.shape_cast %add3A_353 : vector<16xi32> to vector<1x16xi32>
        tpu.vector_store %arg6[%swap3A_354, %swap3A_355], %swap3A_358 {strides = array<i32>} : memref<832x32xi32, #tpu.memory_space<vmem>>, vector<1x16xi32>,
        %scan3A_359 = arith.constant 4 : i32
        %scan3A_360 = arith.addi %scan3A_266, %scan3A_359 : i32
        %get3A_361 = arith.index_cast %scan3A_360 : i32 to index
        %get3A_362 = arith.constant 0 : index
        %get3A_363 = tpu.vector_load %arg6[%get3A_361, %get3A_362] {strides = array<i32>} : memref<832x32xi32, #tpu.memory_space<vmem>>, vector<1x16xi32>,
        %get3A_364 = vector.shape_cast %get3A_363 : vector<1x16xi32> to vector<16xi32>
        %add3A_365 = vector.broadcast %scan3A_3 : i32 to vector<16xi32>
        %add3A_366 = arith.addi %get3A_364, %add3A_365 : vector<16xi32>
        %swap3A_367 = arith.index_cast %scan3A_360 : i32 to index
        %swap3A_368 = arith.constant 0 : index
        %swap3A_369 = tpu.vector_load %arg6[%swap3A_367, %swap3A_368] {strides = array<i32>} : memref<832x32xi32, #tpu.memory_space<vmem>>, vector<1x16xi32>,
        %swap3A_370 = vector.shape_cast %swap3A_369 : vector<1x16xi32> to vector<16xi32>
        %swap3A_371 = vector.shape_cast %add3A_366 : vector<16xi32> to vector<1x16xi32>
        tpu.vector_store %arg6[%swap3A_367, %swap3A_368], %swap3A_371 {strides = array<i32>} : memref<832x32xi32, #tpu.memory_space<vmem>>, vector<1x16xi32>,
        %get3A_372 = arith.index_cast %scan3A_360 : i32 to index
        %get3A_373 = arith.constant 16 : index
        %get3A_374 = tpu.vector_load %arg6[%get3A_372, %get3A_373] {strides = array<i32>} : memref<832x32xi32, #tpu.memory_space<vmem>>, vector<1x16xi32>,
        %get3A_375 = vector.shape_cast %get3A_374 : vector<1x16xi32> to vector<16xi32>
        %add3A_376 = vector.broadcast %scan3A_3 : i32 to vector<16xi32>
        %add3A_377 = arith.addi %get3A_375, %add3A_376 : vector<16xi32>
        %swap3A_378 = arith.index_cast %scan3A_360 : i32 to index
        %swap3A_379 = arith.constant 16 : index
        %swap3A_380 = tpu.vector_load %arg6[%swap3A_378, %swap3A_379] {strides = array<i32>} : memref<832x32xi32, #tpu.memory_space<vmem>>, vector<1x16xi32>,
        %swap3A_381 = vector.shape_cast %swap3A_380 : vector<1x16xi32> to vector<16xi32>
        %swap3A_382 = vector.shape_cast %add3A_377 : vector<16xi32> to vector<1x16xi32>
        tpu.vector_store %arg6[%swap3A_378, %swap3A_379], %swap3A_382 {strides = array<i32>} : memref<832x32xi32, #tpu.memory_space<vmem>>, vector<1x16xi32>,
        %scan3A_383 = arith.constant 5 : i32
        %scan3A_384 = arith.addi %scan3A_266, %scan3A_383 : i32
        %get3A_385 = arith.index_cast %scan3A_384 : i32 to index
        %get3A_386 = arith.constant 0 : index
        %get3A_387 = tpu.vector_load %arg6[%get3A_385, %get3A_386] {strides = array<i32>} : memref<832x32xi32, #tpu.memory_space<vmem>>, vector<1x16xi32>,
        %get3A_388 = vector.shape_cast %get3A_387 : vector<1x16xi32> to vector<16xi32>
        %add3A_389 = vector.broadcast %scan3A_3 : i32 to vector<16xi32>
        %add3A_390 = arith.addi %get3A_388, %add3A_389 : vector<16xi32>
        %swap3A_391 = arith.index_cast %scan3A_384 : i32 to index
        %swap3A_392 = arith.constant 0 : index
        %swap3A_393 = tpu.vector_load %arg6[%swap3A_391, %swap3A_392] {strides = array<i32>} : memref<832x32xi32, #tpu.memory_space<vmem>>, vector<1x16xi32>,
        %swap3A_394 = vector.shape_cast %swap3A_393 : vector<1x16xi32> to vector<16xi32>
        %swap3A_395 = vector.shape_cast %add3A_390 : vector<16xi32> to vector<1x16xi32>
        tpu.vector_store %arg6[%swap3A_391, %swap3A_392], %swap3A_395 {strides = array<i32>} : memref<832x32xi32, #tpu.memory_space<vmem>>, vector<1x16xi32>,
        %get3A_396 = arith.index_cast %scan3A_384 : i32 to index
        %get3A_397 = arith.constant 16 : index
        %get3A_398 = tpu.vector_load %arg6[%get3A_396, %get3A_397] {strides = array<i32>} : memref<832x32xi32, #tpu.memory_space<vmem>>, vector<1x16xi32>,
        %get3A_399 = vector.shape_cast %get3A_398 : vector<1x16xi32> to vector<16xi32>
        %add3A_400 = vector.broadcast %scan3A_3 : i32 to vector<16xi32>
        %add3A_401 = arith.addi %get3A_399, %add3A_400 : vector<16xi32>
        %swap3A_402 = arith.index_cast %scan3A_384 : i32 to index
        %swap3A_403 = arith.constant 16 : index
        %swap3A_404 = tpu.vector_load %arg6[%swap3A_402, %swap3A_403] {strides = array<i32>} : memref<832x32xi32, #tpu.memory_space<vmem>>, vector<1x16xi32>,
        %swap3A_405 = vector.shape_cast %swap3A_404 : vector<1x16xi32> to vector<16xi32>
        %swap3A_406 = vector.shape_cast %add3A_401 : vector<16xi32> to vector<1x16xi32>
        tpu.vector_store %arg6[%swap3A_402, %swap3A_403], %swap3A_406 {strides = array<i32>} : memref<832x32xi32, #tpu.memory_space<vmem>>, vector<1x16xi32>,
        %scan3A_407 = arith.constant 6 : i32
        %scan3A_408 = arith.addi %scan3A_266, %scan3A_407 : i32
        %get3A_409 = arith.index_cast %scan3A_408 : i32 to index
        %get3A_410 = arith.constant 0 : index
        %get3A_411 = tpu.vector_load %arg6[%get3A_409, %get3A_410] {strides = array<i32>} : memref<832x32xi32, #tpu.memory_space<vmem>>, vector<1x16xi32>,
        %get3A_412 = vector.shape_cast %get3A_411 : vector<1x16xi32> to vector<16xi32>
        %add3A_413 = vector.broadcast %scan3A_3 : i32 to vector<16xi32>
        %add3A_414 = arith.addi %get3A_412, %add3A_413 : vector<16xi32>
        %swap3A_415 = arith.index_cast %scan3A_408 : i32 to index
        %swap3A_416 = arith.constant 0 : index
        %swap3A_417 = tpu.vector_load %arg6[%swap3A_415, %swap3A_416] {strides = array<i32>} : memref<832x32xi32, #tpu.memory_space<vmem>>, vector<1x16xi32>,
        %swap3A_418 = vector.shape_cast %swap3A_417 : vector<1x16xi32> to vector<16xi32>
        %swap3A_419 = vector.shape_cast %add3A_414 : vector<16xi32> to vector<1x16xi32>
        tpu.vector_store %arg6[%swap3A_415, %swap3A_416], %swap3A_419 {strides = array<i32>} : memref<832x32xi32, #tpu.memory_space<vmem>>, vector<1x16xi32>,
        %get3A_420 = arith.index_cast %scan3A_408 : i32 to index
        %get3A_421 = arith.constant 16 : index
        %get3A_422 = tpu.vector_load %arg6[%get3A_420, %get3A_421] {strides = array<i32>} : memref<832x32xi32, #tpu.memory_space<vmem>>, vector<1x16xi32>,
        %get3A_423 = vector.shape_cast %get3A_422 : vector<1x16xi32> to vector<16xi32>
        %add3A_424 = vector.broadcast %scan3A_3 : i32 to vector<16xi32>
        %add3A_425 = arith.addi %get3A_423, %add3A_424 : vector<16xi32>
        %swap3A_426 = arith.index_cast %scan3A_408 : i32 to index
        %swap3A_427 = arith.constant 16 : index
        %swap3A_428 = tpu.vector_load %arg6[%swap3A_426, %swap3A_427] {strides = array<i32>} : memref<832x32xi32, #tpu.memory_space<vmem>>, vector<1x16xi32>,
        %swap3A_429 = vector.shape_cast %swap3A_428 : vector<1x16xi32> to vector<16xi32>
        %swap3A_430 = vector.shape_cast %add3A_425 : vector<16xi32> to vector<1x16xi32>
        tpu.vector_store %arg6[%swap3A_426, %swap3A_427], %swap3A_430 {strides = array<i32>} : memref<832x32xi32, #tpu.memory_space<vmem>>, vector<1x16xi32>,
        %scan3A_431 = arith.constant 7 : i32
        %scan3A_432 = arith.addi %scan3A_266, %scan3A_431 : i32
        %get3A_433 = arith.index_cast %scan3A_432 : i32 to index
        %get3A_434 = arith.constant 0 : index
        %get3A_435 = tpu.vector_load %arg6[%get3A_433, %get3A_434] {strides = array<i32>} : memref<832x32xi32, #tpu.memory_space<vmem>>, vector<1x16xi32>,
        %get3A_436 = vector.shape_cast %get3A_435 : vector<1x16xi32> to vector<16xi32>
        %add3A_437 = vector.broadcast %scan3A_3 : i32 to vector<16xi32>
        %add3A_438 = arith.addi %get3A_436, %add3A_437 : vector<16xi32>
        %swap3A_439 = arith.index_cast %scan3A_432 : i32 to index
        %swap3A_440 = arith.constant 0 : index
        %swap3A_441 = tpu.vector_load %arg6[%swap3A_439, %swap3A_440] {strides = array<i32>} : memref<832x32xi32, #tpu.memory_space<vmem>>, vector<1x16xi32>,
        %swap3A_442 = vector.shape_cast %swap3A_441 : vector<1x16xi32> to vector<16xi32>
        %swap3A_443 = vector.shape_cast %add3A_438 : vector<16xi32> to vector<1x16xi32>
        tpu.vector_store %arg6[%swap3A_439, %swap3A_440], %swap3A_443 {strides = array<i32>} : memref<832x32xi32, #tpu.memory_space<vmem>>, vector<1x16xi32>,
        %get3A_444 = arith.index_cast %scan3A_432 : i32 to index
        %get3A_445 = arith.constant 16 : index
        %get3A_446 = tpu.vector_load %arg6[%get3A_444, %get3A_445] {strides = array<i32>} : memref<832x32xi32, #tpu.memory_space<vmem>>, vector<1x16xi32>,
        %get3A_447 = vector.shape_cast %get3A_446 : vector<1x16xi32> to vector<16xi32>
        %add3A_448 = vector.broadcast %scan3A_3 : i32 to vector<16xi32>
        %add3A_449 = arith.addi %get3A_447, %add3A_448 : vector<16xi32>
        %swap3A_450 = arith.index_cast %scan3A_432 : i32 to index
        %swap3A_451 = arith.constant 16 : index
        %swap3A_452 = tpu.vector_load %arg6[%swap3A_450, %swap3A_451] {strides = array<i32>} : memref<832x32xi32, #tpu.memory_space<vmem>>, vector<1x16xi32>,
        %swap3A_453 = vector.shape_cast %swap3A_452 : vector<1x16xi32> to vector<16xi32>
        %swap3A_454 = vector.shape_cast %add3A_449 : vector<16xi32> to vector<1x16xi32>
        tpu.vector_store %arg6[%swap3A_450, %swap3A_451], %swap3A_454 {strides = array<i32>} : memref<832x32xi32, #tpu.memory_space<vmem>>, vector<1x16xi32>,
      }
      %scan3A_264 = arith.constant 832 : i32
      %add3A_265 = arith.addi %mul3A_2, %mul3A_130 : i32
      "tpu.region"() ({
        %run_scoped3A = tpu.sem_alloc : memref<!tpu.dma_semaphore, #tpu.memory_space<semaphore_mem>>
        %dma_start3A_266 = arith.constant 0 : i32
        %dma_start3A_267 = arith.constant 0 : i32
        %dma_start3A_268 = tpu.memref_slice %arg6[%dma_start3A_266, %dma_start3A_267] : memref<832x32xi32, #tpu.memory_space<vmem>> -> memref<832x32xi32, #tpu.memory_space<vmem>>
        %dma_start3A_269 = arith.constant 0 : i32
        %dma_start3A_270 = tpu.memref_slice %arg4[%add3A_265, %dma_start3A_269] : memref<819200x32xi32, #tpu.memory_space<hbm>> -> memref<832x32xi32, #tpu.memory_space<hbm>>
        %dma_start3A_271 = arith.constant 0 : i32
        %dma_start3A_272 = tpu.memref_slice %arg4[%add3A_265, %dma_start3A_271] : memref<819200x32xi32, #tpu.memory_space<hbm>> -> memref<832x32xi32, #tpu.memory_space<hbm>>
        %dma_start3A_273 = arith.constant 0 : i32
        %dma_start3A_274 = arith.constant 0 : i32
        %dma_start3A_275 = tpu.memref_slice %arg6[%dma_start3A_273, %dma_start3A_274] : memref<832x32xi32, #tpu.memory_space<vmem>> -> memref<832x32xi32, #tpu.memory_space<vmem>>
        tpu.enqueue_dma source(%dma_start3A_275 : memref<832x32xi32, #tpu.memory_space<vmem>>) target(%dma_start3A_272 : memref<832x32xi32, #tpu.memory_space<hbm>>) target_semaphore(%run_scoped3A : memref<!tpu.dma_semaphore, #tpu.memory_space<semaphore_mem>>)
        %dma_wait3A_276 = arith.constant 0 : i32
        %dma_wait3A_277 = arith.constant 0 : i32
        %dma_wait3A_278 = tpu.memref_slice %arg6[%dma_wait3A_276, %dma_wait3A_277] : memref<832x32xi32, #tpu.memory_space<vmem>> -> memref<832x32xi32, #tpu.memory_space<vmem>>
        %dma_wait3A_279 = arith.constant 0 : i32
        %dma_wait3A_280 = tpu.memref_slice %arg4[%add3A_265, %dma_wait3A_279] : memref<819200x32xi32, #tpu.memory_space<hbm>> -> memref<832x32xi32, #tpu.memory_space<hbm>>
        %dma_wait3A_281 = arith.constant 0 : i32
        %dma_wait3A_282 = tpu.memref_slice %arg4[%add3A_265, %dma_wait3A_281] : memref<819200x32xi32, #tpu.memory_space<hbm>> -> memref<832x32xi32, #tpu.memory_space<hbm>>
        %dma_wait3A_283 = arith.constant 0 : i32
        %dma_wait3A_284 = arith.constant 0 : i32
        %dma_wait3A_285 = tpu.memref_slice %arg6[%dma_wait3A_283, %dma_wait3A_284] : memref<832x32xi32, #tpu.memory_space<vmem>> -> memref<832x32xi32, #tpu.memory_space<vmem>>
        tpu.wait_dma2 semaphore(%run_scoped3A : memref<!tpu.dma_semaphore, #tpu.memory_space<semaphore_mem>>) src(%dma_wait3A_285 : memref<832x32xi32, #tpu.memory_space<vmem>>) dst(%dma_wait3A_282 : memref<832x32xi32, #tpu.memory_space<hbm>>)
        tpu.yield
      }) : () -> ()
    }
    %scan3A_8 = arith.constant 30 : i32
    %dma_start3A = arith.constant 0 : i32
    %dma_start3A_9 = arith.constant 0 : i32
    %dma_start3A_10 = tpu.memref_slice %arg6[%dma_start3A, %dma_start3A_9] : memref<832x32xi32, #tpu.memory_space<vmem>> -> memref<104x32xi32, #tpu.memory_space<vmem>>
    %dma_start3A_11 = arith.constant 24960 : i32
    %dma_start3A_12 = tpu.memref_slice %arg5[%dma_start3A_11] : memref<25600xi32, #tpu.memory_space<vmem>> -> memref<104xi32, #tpu.memory_space<vmem>>
    %dma_start3A_13 = arith.constant 0 : i32
    %dma_start3A_14 = arith.constant 0 : i32
    %dma_start3A_15 = tpu.memref_slice %arg3[%dma_start3A_13, %dma_start3A_14] : memref<1000000x32xi32, #tpu.memory_space<hbm>> -> memref<1000000x32xi32, #tpu.memory_space<hbm>>
    tpu.enqueue_indirect_dma source(%dma_start3A_15 : memref<1000000x32xi32, #tpu.memory_space<hbm>>) target(%dma_start3A_10 : memref<104x32xi32, #tpu.memory_space<vmem>>) offsets(%dma_start3A_12 : memref<104xi32, #tpu.memory_space<vmem>>) semaphore(%arg7 : memref<!tpu.dma_semaphore, #tpu.memory_space<semaphore_mem>>)
    %dma_start3A_16 = arith.constant 104 : i32
    %dma_start3A_17 = arith.constant 0 : i32
    %dma_start3A_18 = tpu.memref_slice %arg6[%dma_start3A_16, %dma_start3A_17] : memref<832x32xi32, #tpu.memory_space<vmem>> -> memref<104x32xi32, #tpu.memory_space<vmem>>
    %dma_start3A_19 = arith.constant 25064 : i32
    %dma_start3A_20 = tpu.memref_slice %arg5[%dma_start3A_19] : memref<25600xi32, #tpu.memory_space<vmem>> -> memref<104xi32, #tpu.memory_space<vmem>>
    %dma_start3A_21 = arith.constant 0 : i32
    %dma_start3A_22 = arith.constant 0 : i32
    %dma_start3A_23 = tpu.memref_slice %arg3[%dma_start3A_21, %dma_start3A_22] : memref<1000000x32xi32, #tpu.memory_space<hbm>> -> memref<1000000x32xi32, #tpu.memory_space<hbm>>
    tpu.enqueue_indirect_dma source(%dma_start3A_23 : memref<1000000x32xi32, #tpu.memory_space<hbm>>) target(%dma_start3A_18 : memref<104x32xi32, #tpu.memory_space<vmem>>) offsets(%dma_start3A_20 : memref<104xi32, #tpu.memory_space<vmem>>) semaphore(%arg7 : memref<!tpu.dma_semaphore, #tpu.memory_space<semaphore_mem>>)
    %dma_start3A_24 = arith.constant 208 : i32
    %dma_start3A_25 = arith.constant 0 : i32
    %dma_start3A_26 = tpu.memref_slice %arg6[%dma_start3A_24, %dma_start3A_25] : memref<832x32xi32, #tpu.memory_space<vmem>> -> memref<104x32xi32, #tpu.memory_space<vmem>>
    %dma_start3A_27 = arith.constant 25168 : i32
    %dma_start3A_28 = tpu.memref_slice %arg5[%dma_start3A_27] : memref<25600xi32, #tpu.memory_space<vmem>> -> memref<104xi32, #tpu.memory_space<vmem>>
    %dma_start3A_29 = arith.constant 0 : i32
    %dma_start3A_30 = arith.constant 0 : i32
    %dma_start3A_31 = tpu.memref_slice %arg3[%dma_start3A_29, %dma_start3A_30] : memref<1000000x32xi32, #tpu.memory_space<hbm>> -> memref<1000000x32xi32, #tpu.memory_space<hbm>>
    tpu.enqueue_indirect_dma source(%dma_start3A_31 : memref<1000000x32xi32, #tpu.memory_space<hbm>>) target(%dma_start3A_26 : memref<104x32xi32, #tpu.memory_space<vmem>>) offsets(%dma_start3A_28 : memref<104xi32, #tpu.memory_space<vmem>>) semaphore(%arg7 : memref<!tpu.dma_semaphore, #tpu.memory_space<semaphore_mem>>)
    %dma_start3A_32 = arith.constant 312 : i32
    %dma_start3A_33 = arith.constant 0 : i32
    %dma_start3A_34 = tpu.memref_slice %arg6[%dma_start3A_32, %dma_start3A_33] : memref<832x32xi32, #tpu.memory_space<vmem>> -> memref<104x32xi32, #tpu.memory_space<vmem>>
    %dma_start3A_35 = arith.constant 25272 : i32
    %dma_start3A_36 = tpu.memref_slice %arg5[%dma_start3A_35] : memref<25600xi32, #tpu.memory_space<vmem>> -> memref<104xi32, #tpu.memory_space<vmem>>
    %dma_start3A_37 = arith.constant 0 : i32
    %dma_start3A_38 = arith.constant 0 : i32
    %dma_start3A_39 = tpu.memref_slice %arg3[%dma_start3A_37, %dma_start3A_38] : memref<1000000x32xi32, #tpu.memory_space<hbm>> -> memref<1000000x32xi32, #tpu.memory_space<hbm>>
    tpu.enqueue_indirect_dma source(%dma_start3A_39 : memref<1000000x32xi32, #tpu.memory_space<hbm>>) target(%dma_start3A_34 : memref<104x32xi32, #tpu.memory_space<vmem>>) offsets(%dma_start3A_36 : memref<104xi32, #tpu.memory_space<vmem>>) semaphore(%arg7 : memref<!tpu.dma_semaphore, #tpu.memory_space<semaphore_mem>>)
    %dma_start3A_40 = arith.constant 416 : i32
    %dma_start3A_41 = arith.constant 0 : i32
    %dma_start3A_42 = tpu.memref_slice %arg6[%dma_start3A_40, %dma_start3A_41] : memref<832x32xi32, #tpu.memory_space<vmem>> -> memref<104x32xi32, #tpu.memory_space<vmem>>
    %dma_start3A_43 = arith.constant 25376 : i32
    %dma_start3A_44 = tpu.memref_slice %arg5[%dma_start3A_43] : memref<25600xi32, #tpu.memory_space<vmem>> -> memref<104xi32, #tpu.memory_space<vmem>>
    %dma_start3A_45 = arith.constant 0 : i32
    %dma_start3A_46 = arith.constant 0 : i32
    %dma_start3A_47 = tpu.memref_slice %arg3[%dma_start3A_45, %dma_start3A_46] : memref<1000000x32xi32, #tpu.memory_space<hbm>> -> memref<1000000x32xi32, #tpu.memory_space<hbm>>
    tpu.enqueue_indirect_dma source(%dma_start3A_47 : memref<1000000x32xi32, #tpu.memory_space<hbm>>) target(%dma_start3A_42 : memref<104x32xi32, #tpu.memory_space<vmem>>) offsets(%dma_start3A_44 : memref<104xi32, #tpu.memory_space<vmem>>) semaphore(%arg7 : memref<!tpu.dma_semaphore, #tpu.memory_space<semaphore_mem>>)
    %dma_start3A_48 = arith.constant 520 : i32
    %dma_start3A_49 = arith.constant 0 : i32
    %dma_start3A_50 = tpu.memref_slice %arg6[%dma_start3A_48, %dma_start3A_49] : memref<832x32xi32, #tpu.memory_space<vmem>> -> memref<104x32xi32, #tpu.memory_space<vmem>>
    %dma_start3A_51 = arith.constant 25480 : i32
    %dma_start3A_52 = tpu.memref_slice %arg5[%dma_start3A_51] : memref<25600xi32, #tpu.memory_space<vmem>> -> memref<104xi32, #tpu.memory_space<vmem>>
    %dma_start3A_53 = arith.constant 0 : i32
    %dma_start3A_54 = arith.constant 0 : i32
    %dma_start3A_55 = tpu.memref_slice %arg3[%dma_start3A_53, %dma_start3A_54] : memref<1000000x32xi32, #tpu.memory_space<hbm>> -> memref<1000000x32xi32, #tpu.memory_space<hbm>>
    tpu.enqueue_indirect_dma source(%dma_start3A_55 : memref<1000000x32xi32, #tpu.memory_space<hbm>>) target(%dma_start3A_50 : memref<104x32xi32, #tpu.memory_space<vmem>>) offsets(%dma_start3A_52 : memref<104xi32, #tpu.memory_space<vmem>>) semaphore(%arg7 : memref<!tpu.dma_semaphore, #tpu.memory_space<semaphore_mem>>)
    %dma_start3A_56 = arith.constant 624 : i32
    %dma_start3A_57 = arith.constant 0 : i32
    %dma_start3A_58 = tpu.memref_slice %arg6[%dma_start3A_56, %dma_start3A_57] : memref<832x32xi32, #tpu.memory_space<vmem>> -> memref<16x32xi32, #tpu.memory_space<vmem>>
    %dma_start3A_59 = arith.constant 25584 : i32
    %dma_start3A_60 = tpu.memref_slice %arg5[%dma_start3A_59] : memref<25600xi32, #tpu.memory_space<vmem>> -> memref<16xi32, #tpu.memory_space<vmem>>
    %dma_start3A_61 = arith.constant 0 : i32
    %dma_start3A_62 = arith.constant 0 : i32
    %dma_start3A_63 = tpu.memref_slice %arg3[%dma_start3A_61, %dma_start3A_62] : memref<1000000x32xi32, #tpu.memory_space<hbm>> -> memref<1000000x32xi32, #tpu.memory_space<hbm>>
    tpu.enqueue_indirect_dma source(%dma_start3A_63 : memref<1000000x32xi32, #tpu.memory_space<hbm>>) target(%dma_start3A_58 : memref<16x32xi32, #tpu.memory_space<vmem>>) offsets(%dma_start3A_60 : memref<16xi32, #tpu.memory_space<vmem>>) semaphore(%arg7 : memref<!tpu.dma_semaphore, #tpu.memory_space<semaphore_mem>>)
    %dma_wait3A = arith.constant 0 : i32
    %dma_wait3A_64 = arith.constant 0 : i32
    %dma_wait3A_65 = tpu.memref_slice %arg6[%dma_wait3A, %dma_wait3A_64] : memref<832x32xi32, #tpu.memory_space<vmem>> -> memref<104x32xi32, #tpu.memory_space<vmem>>
    %dma_wait3A_66 = arith.constant 24960 : i32
    %dma_wait3A_67 = tpu.memref_slice %arg5[%dma_wait3A_66] : memref<25600xi32, #tpu.memory_space<vmem>> -> memref<104xi32, #tpu.memory_space<vmem>>
    %dma_wait3A_68 = arith.constant 0 : i32
    %dma_wait3A_69 = arith.constant 0 : i32
    %dma_wait3A_70 = tpu.memref_slice %arg3[%dma_wait3A_68, %dma_wait3A_69] : memref<1000000x32xi32, #tpu.memory_space<hbm>> -> memref<1000000x32xi32, #tpu.memory_space<hbm>>
    tpu.wait_indirect_dma semaphore(%arg7 : memref<!tpu.dma_semaphore, #tpu.memory_space<semaphore_mem>>) src(%dma_wait3A_70 : memref<1000000x32xi32, #tpu.memory_space<hbm>>) dst(%dma_wait3A_65 : memref<104x32xi32, #tpu.memory_space<vmem>>)
    %dma_wait3A_71 = arith.constant 104 : i32
    %dma_wait3A_72 = arith.constant 0 : i32
    %dma_wait3A_73 = tpu.memref_slice %arg6[%dma_wait3A_71, %dma_wait3A_72] : memref<832x32xi32, #tpu.memory_space<vmem>> -> memref<104x32xi32, #tpu.memory_space<vmem>>
    %dma_wait3A_74 = arith.constant 25064 : i32
    %dma_wait3A_75 = tpu.memref_slice %arg5[%dma_wait3A_74] : memref<25600xi32, #tpu.memory_space<vmem>> -> memref<104xi32, #tpu.memory_space<vmem>>
    %dma_wait3A_76 = arith.constant 0 : i32
    %dma_wait3A_77 = arith.constant 0 : i32
    %dma_wait3A_78 = tpu.memref_slice %arg3[%dma_wait3A_76, %dma_wait3A_77] : memref<1000000x32xi32, #tpu.memory_space<hbm>> -> memref<1000000x32xi32, #tpu.memory_space<hbm>>
    tpu.wait_indirect_dma semaphore(%arg7 : memref<!tpu.dma_semaphore, #tpu.memory_space<semaphore_mem>>) src(%dma_wait3A_78 : memref<1000000x32xi32, #tpu.memory_space<hbm>>) dst(%dma_wait3A_73 : memref<104x32xi32, #tpu.memory_space<vmem>>)
    %dma_wait3A_79 = arith.constant 208 : i32
    %dma_wait3A_80 = arith.constant 0 : i32
    %dma_wait3A_81 = tpu.memref_slice %arg6[%dma_wait3A_79, %dma_wait3A_80] : memref<832x32xi32, #tpu.memory_space<vmem>> -> memref<104x32xi32, #tpu.memory_space<vmem>>
    %dma_wait3A_82 = arith.constant 25168 : i32
    %dma_wait3A_83 = tpu.memref_slice %arg5[%dma_wait3A_82] : memref<25600xi32, #tpu.memory_space<vmem>> -> memref<104xi32, #tpu.memory_space<vmem>>
    %dma_wait3A_84 = arith.constant 0 : i32
    %dma_wait3A_85 = arith.constant 0 : i32
    %dma_wait3A_86 = tpu.memref_slice %arg3[%dma_wait3A_84, %dma_wait3A_85] : memref<1000000x32xi32, #tpu.memory_space<hbm>> -> memref<1000000x32xi32, #tpu.memory_space<hbm>>
    tpu.wait_indirect_dma semaphore(%arg7 : memref<!tpu.dma_semaphore, #tpu.memory_space<semaphore_mem>>) src(%dma_wait3A_86 : memref<1000000x32xi32, #tpu.memory_space<hbm>>) dst(%dma_wait3A_81 : memref<104x32xi32, #tpu.memory_space<vmem>>)
    %dma_wait3A_87 = arith.constant 312 : i32
    %dma_wait3A_88 = arith.constant 0 : i32
    %dma_wait3A_89 = tpu.memref_slice %arg6[%dma_wait3A_87, %dma_wait3A_88] : memref<832x32xi32, #tpu.memory_space<vmem>> -> memref<104x32xi32, #tpu.memory_space<vmem>>
    %dma_wait3A_90 = arith.constant 25272 : i32
    %dma_wait3A_91 = tpu.memref_slice %arg5[%dma_wait3A_90] : memref<25600xi32, #tpu.memory_space<vmem>> -> memref<104xi32, #tpu.memory_space<vmem>>
    %dma_wait3A_92 = arith.constant 0 : i32
    %dma_wait3A_93 = arith.constant 0 : i32
    %dma_wait3A_94 = tpu.memref_slice %arg3[%dma_wait3A_92, %dma_wait3A_93] : memref<1000000x32xi32, #tpu.memory_space<hbm>> -> memref<1000000x32xi32, #tpu.memory_space<hbm>>
    tpu.wait_indirect_dma semaphore(%arg7 : memref<!tpu.dma_semaphore, #tpu.memory_space<semaphore_mem>>) src(%dma_wait3A_94 : memref<1000000x32xi32, #tpu.memory_space<hbm>>) dst(%dma_wait3A_89 : memref<104x32xi32, #tpu.memory_space<vmem>>)
    %dma_wait3A_95 = arith.constant 416 : i32
    %dma_wait3A_96 = arith.constant 0 : i32
    %dma_wait3A_97 = tpu.memref_slice %arg6[%dma_wait3A_95, %dma_wait3A_96] : memref<832x32xi32, #tpu.memory_space<vmem>> -> memref<104x32xi32, #tpu.memory_space<vmem>>
    %dma_wait3A_98 = arith.constant 25376 : i32
    %dma_wait3A_99 = tpu.memref_slice %arg5[%dma_wait3A_98] : memref<25600xi32, #tpu.memory_space<vmem>> -> memref<104xi32, #tpu.memory_space<vmem>>
    %dma_wait3A_100 = arith.constant 0 : i32
    %dma_wait3A_101 = arith.constant 0 : i32
    %dma_wait3A_102 = tpu.memref_slice %arg3[%dma_wait3A_100, %dma_wait3A_101] : memref<1000000x32xi32, #tpu.memory_space<hbm>> -> memref<1000000x32xi32, #tpu.memory_space<hbm>>
    tpu.wait_indirect_dma semaphore(%arg7 : memref<!tpu.dma_semaphore, #tpu.memory_space<semaphore_mem>>) src(%dma_wait3A_102 : memref<1000000x32xi32, #tpu.memory_space<hbm>>) dst(%dma_wait3A_97 : memref<104x32xi32, #tpu.memory_space<vmem>>)
    %dma_wait3A_103 = arith.constant 520 : i32
    %dma_wait3A_104 = arith.constant 0 : i32
    %dma_wait3A_105 = tpu.memref_slice %arg6[%dma_wait3A_103, %dma_wait3A_104] : memref<832x32xi32, #tpu.memory_space<vmem>> -> memref<104x32xi32, #tpu.memory_space<vmem>>
    %dma_wait3A_106 = arith.constant 25480 : i32
    %dma_wait3A_107 = tpu.memref_slice %arg5[%dma_wait3A_106] : memref<25600xi32, #tpu.memory_space<vmem>> -> memref<104xi32, #tpu.memory_space<vmem>>
    %dma_wait3A_108 = arith.constant 0 : i32
    %dma_wait3A_109 = arith.constant 0 : i32
    %dma_wait3A_110 = tpu.memref_slice %arg3[%dma_wait3A_108, %dma_wait3A_109] : memref<1000000x32xi32, #tpu.memory_space<hbm>> -> memref<1000000x32xi32, #tpu.memory_space<hbm>>
    tpu.wait_indirect_dma semaphore(%arg7 : memref<!tpu.dma_semaphore, #tpu.memory_space<semaphore_mem>>) src(%dma_wait3A_110 : memref<1000000x32xi32, #tpu.memory_space<hbm>>) dst(%dma_wait3A_105 : memref<104x32xi32, #tpu.memory_space<vmem>>)
    %dma_wait3A_111 = arith.constant 624 : i32
    %dma_wait3A_112 = arith.constant 0 : i32
    %dma_wait3A_113 = tpu.memref_slice %arg6[%dma_wait3A_111, %dma_wait3A_112] : memref<832x32xi32, #tpu.memory_space<vmem>> -> memref<16x32xi32, #tpu.memory_space<vmem>>
    %dma_wait3A_114 = arith.constant 25584 : i32
    %dma_wait3A_115 = tpu.memref_slice %arg5[%dma_wait3A_114] : memref<25600xi32, #tpu.memory_space<vmem>> -> memref<16xi32, #tpu.memory_space<vmem>>
    %dma_wait3A_116 = arith.constant 0 : i32
    %dma_wait3A_117 = arith.constant 0 : i32
    %dma_wait3A_118 = tpu.memref_slice %arg3[%dma_wait3A_116, %dma_wait3A_117] : memref<1000000x32xi32, #tpu.memory_space<hbm>> -> memref<1000000x32xi32, #tpu.memory_space<hbm>>
    tpu.wait_indirect_dma semaphore(%arg7 : memref<!tpu.dma_semaphore, #tpu.memory_space<semaphore_mem>>) src(%dma_wait3A_118 : memref<1000000x32xi32, #tpu.memory_space<hbm>>) dst(%dma_wait3A_113 : memref<16x32xi32, #tpu.memory_space<vmem>>)
    %scan3A_119 = arith.constant 0 : i32
    %scan3A_120 = arith.constant 25166208 : i32
    %scan3A_121 = arith.constant 0 : i32
    %scan3A_122 = arith.constant 640 : i32
    %scan3A_123 = arith.addi %scan3A_121, %scan3A_122 : i32
    %scan3A_124 = arith.constant 8 : i32
    scf.for %scan3A_128 = %scan3A_121 to %scan3A_123 step %scan3A_124  : i32 {
      %get3A = arith.index_cast %scan3A_128 : i32 to index
      %get3A_129 = arith.constant 0 : index
      %get3A_130 = tpu.vector_load %arg6[%get3A, %get3A_129] {strides = array<i32>} : memref<832x32xi32, #tpu.memory_space<vmem>>, vector<1x16xi32>,
      %get3A_131 = vector.shape_cast %get3A_130 : vector<1x16xi32> to vector<16xi32>
      %add3A_132 = vector.broadcast %scan3A_120 : i32 to vector<16xi32>
      %add3A_133 = arith.addi %get3A_131, %add3A_132 : vector<16xi32>
      %swap3A = arith.index_cast %scan3A_128 : i32 to index
      %swap3A_134 = arith.constant 0 : index
      %swap3A_135 = tpu.vector_load %arg6[%swap3A, %swap3A_134] {strides = array<i32>} : memref<832x32xi32, #tpu.memory_space<vmem>>, vector<1x16xi32>,
      %swap3A_136 = vector.shape_cast %swap3A_135 : vector<1x16xi32> to vector<16xi32>
      %swap3A_137 = vector.shape_cast %add3A_133 : vector<16xi32> to vector<1x16xi32>
      tpu.vector_store %arg6[%swap3A, %swap3A_134], %swap3A_137 {strides = array<i32>} : memref<832x32xi32, #tpu.memory_space<vmem>>, vector<1x16xi32>,
      %get3A_138 = arith.index_cast %scan3A_128 : i32 to index
      %get3A_139 = arith.constant 16 : index
      %get3A_140 = tpu.vector_load %arg6[%get3A_138, %get3A_139] {strides = array<i32>} : memref<832x32xi32, #tpu.memory_space<vmem>>, vector<1x16xi32>,
      %get3A_141 = vector.shape_cast %get3A_140 : vector<1x16xi32> to vector<16xi32>
      %add3A_142 = vector.broadcast %scan3A_120 : i32 to vector<16xi32>
      %add3A_143 = arith.addi %get3A_141, %add3A_142 : vector<16xi32>
      %swap3A_144 = arith.index_cast %scan3A_128 : i32 to index
      %swap3A_145 = arith.constant 16 : index
      %swap3A_146 = tpu.vector_load %arg6[%swap3A_144, %swap3A_145] {strides = array<i32>} : memref<832x32xi32, #tpu.memory_space<vmem>>, vector<1x16xi32>,
      %swap3A_147 = vector.shape_cast %swap3A_146 : vector<1x16xi32> to vector<16xi32>
      %swap3A_148 = vector.shape_cast %add3A_143 : vector<16xi32> to vector<1x16xi32>
      tpu.vector_store %arg6[%swap3A_144, %swap3A_145], %swap3A_148 {strides = array<i32>} : memref<832x32xi32, #tpu.memory_space<vmem>>, vector<1x16xi32>,
      %scan3A_149 = arith.constant 1 : i32
      %scan3A_150 = arith.addi %scan3A_128, %scan3A_149 : i32
      %get3A_151 = arith.index_cast %scan3A_150 : i32 to index
      %get3A_152 = arith.constant 0 : index
      %get3A_153 = tpu.vector_load %arg6[%get3A_151, %get3A_152] {strides = array<i32>} : memref<832x32xi32, #tpu.memory_space<vmem>>, vector<1x16xi32>,
      %get3A_154 = vector.shape_cast %get3A_153 : vector<1x16xi32> to vector<16xi32>
      %add3A_155 = vector.broadcast %scan3A_120 : i32 to vector<16xi32>
      %add3A_156 = arith.addi %get3A_154, %add3A_155 : vector<16xi32>
      %swap3A_157 = arith.index_cast %scan3A_150 : i32 to index
      %swap3A_158 = arith.constant 0 : index
      %swap3A_159 = tpu.vector_load %arg6[%swap3A_157, %swap3A_158] {strides = array<i32>} : memref<832x32xi32, #tpu.memory_space<vmem>>, vector<1x16xi32>,
      %swap3A_160 = vector.shape_cast %swap3A_159 : vector<1x16xi32> to vector<16xi32>
      %swap3A_161 = vector.shape_cast %add3A_156 : vector<16xi32> to vector<1x16xi32>
      tpu.vector_store %arg6[%swap3A_157, %swap3A_158], %swap3A_161 {strides = array<i32>} : memref<832x32xi32, #tpu.memory_space<vmem>>, vector<1x16xi32>,
      %get3A_162 = arith.index_cast %scan3A_150 : i32 to index
      %get3A_163 = arith.constant 16 : index
      %get3A_164 = tpu.vector_load %arg6[%get3A_162, %get3A_163] {strides = array<i32>} : memref<832x32xi32, #tpu.memory_space<vmem>>, vector<1x16xi32>,
      %get3A_165 = vector.shape_cast %get3A_164 : vector<1x16xi32> to vector<16xi32>
      %add3A_166 = vector.broadcast %scan3A_120 : i32 to vector<16xi32>
      %add3A_167 = arith.addi %get3A_165, %add3A_166 : vector<16xi32>
      %swap3A_168 = arith.index_cast %scan3A_150 : i32 to index
      %swap3A_169 = arith.constant 16 : index
      %swap3A_170 = tpu.vector_load %arg6[%swap3A_168, %swap3A_169] {strides = array<i32>} : memref<832x32xi32, #tpu.memory_space<vmem>>, vector<1x16xi32>,
      %swap3A_171 = vector.shape_cast %swap3A_170 : vector<1x16xi32> to vector<16xi32>
      %swap3A_172 = vector.shape_cast %add3A_167 : vector<16xi32> to vector<1x16xi32>
      tpu.vector_store %arg6[%swap3A_168, %swap3A_169], %swap3A_172 {strides = array<i32>} : memref<832x32xi32, #tpu.memory_space<vmem>>, vector<1x16xi32>,
      %scan3A_173 = arith.constant 2 : i32
      %scan3A_174 = arith.addi %scan3A_128, %scan3A_173 : i32
      %get3A_175 = arith.index_cast %scan3A_174 : i32 to index
      %get3A_176 = arith.constant 0 : index
      %get3A_177 = tpu.vector_load %arg6[%get3A_175, %get3A_176] {strides = array<i32>} : memref<832x32xi32, #tpu.memory_space<vmem>>, vector<1x16xi32>,
      %get3A_178 = vector.shape_cast %get3A_177 : vector<1x16xi32> to vector<16xi32>
      %add3A_179 = vector.broadcast %scan3A_120 : i32 to vector<16xi32>
      %add3A_180 = arith.addi %get3A_178, %add3A_179 : vector<16xi32>
      %swap3A_181 = arith.index_cast %scan3A_174 : i32 to index
      %swap3A_182 = arith.constant 0 : index
      %swap3A_183 = tpu.vector_load %arg6[%swap3A_181, %swap3A_182] {strides = array<i32>} : memref<832x32xi32, #tpu.memory_space<vmem>>, vector<1x16xi32>,
      %swap3A_184 = vector.shape_cast %swap3A_183 : vector<1x16xi32> to vector<16xi32>
      %swap3A_185 = vector.shape_cast %add3A_180 : vector<16xi32> to vector<1x16xi32>
      tpu.vector_store %arg6[%swap3A_181, %swap3A_182], %swap3A_185 {strides = array<i32>} : memref<832x32xi32, #tpu.memory_space<vmem>>, vector<1x16xi32>,
      %get3A_186 = arith.index_cast %scan3A_174 : i32 to index
      %get3A_187 = arith.constant 16 : index
      %get3A_188 = tpu.vector_load %arg6[%get3A_186, %get3A_187] {strides = array<i32>} : memref<832x32xi32, #tpu.memory_space<vmem>>, vector<1x16xi32>,
      %get3A_189 = vector.shape_cast %get3A_188 : vector<1x16xi32> to vector<16xi32>
      %add3A_190 = vector.broadcast %scan3A_120 : i32 to vector<16xi32>
      %add3A_191 = arith.addi %get3A_189, %add3A_190 : vector<16xi32>
      %swap3A_192 = arith.index_cast %scan3A_174 : i32 to index
      %swap3A_193 = arith.constant 16 : index
      %swap3A_194 = tpu.vector_load %arg6[%swap3A_192, %swap3A_193] {strides = array<i32>} : memref<832x32xi32, #tpu.memory_space<vmem>>, vector<1x16xi32>,
      %swap3A_195 = vector.shape_cast %swap3A_194 : vector<1x16xi32> to vector<16xi32>
      %swap3A_196 = vector.shape_cast %add3A_191 : vector<16xi32> to vector<1x16xi32>
      tpu.vector_store %arg6[%swap3A_192, %swap3A_193], %swap3A_196 {strides = array<i32>} : memref<832x32xi32, #tpu.memory_space<vmem>>, vector<1x16xi32>,
      %scan3A_197 = arith.constant 3 : i32
      %scan3A_198 = arith.addi %scan3A_128, %scan3A_197 : i32
      %get3A_199 = arith.index_cast %scan3A_198 : i32 to index
      %get3A_200 = arith.constant 0 : index
      %get3A_201 = tpu.vector_load %arg6[%get3A_199, %get3A_200] {strides = array<i32>} : memref<832x32xi32, #tpu.memory_space<vmem>>, vector<1x16xi32>,
      %get3A_202 = vector.shape_cast %get3A_201 : vector<1x16xi32> to vector<16xi32>
      %add3A_203 = vector.broadcast %scan3A_120 : i32 to vector<16xi32>
      %add3A_204 = arith.addi %get3A_202, %add3A_203 : vector<16xi32>
      %swap3A_205 = arith.index_cast %scan3A_198 : i32 to index
      %swap3A_206 = arith.constant 0 : index
      %swap3A_207 = tpu.vector_load %arg6[%swap3A_205, %swap3A_206] {strides = array<i32>} : memref<832x32xi32, #tpu.memory_space<vmem>>, vector<1x16xi32>,
      %swap3A_208 = vector.shape_cast %swap3A_207 : vector<1x16xi32> to vector<16xi32>
      %swap3A_209 = vector.shape_cast %add3A_204 : vector<16xi32> to vector<1x16xi32>
      tpu.vector_store %arg6[%swap3A_205, %swap3A_206], %swap3A_209 {strides = array<i32>} : memref<832x32xi32, #tpu.memory_space<vmem>>, vector<1x16xi32>,
      %get3A_210 = arith.index_cast %scan3A_198 : i32 to index
      %get3A_211 = arith.constant 16 : index
      %get3A_212 = tpu.vector_load %arg6[%get3A_210, %get3A_211] {strides = array<i32>} : memref<832x32xi32, #tpu.memory_space<vmem>>, vector<1x16xi32>,
      %get3A_213 = vector.shape_cast %get3A_212 : vector<1x16xi32> to vector<16xi32>
      %add3A_214 = vector.broadcast %scan3A_120 : i32 to vector<16xi32>
      %add3A_215 = arith.addi %get3A_213, %add3A_214 : vector<16xi32>
      %swap3A_216 = arith.index_cast %scan3A_198 : i32 to index
      %swap3A_217 = arith.constant 16 : index
      %swap3A_218 = tpu.vector_load %arg6[%swap3A_216, %swap3A_217] {strides = array<i32>} : memref<832x32xi32, #tpu.memory_space<vmem>>, vector<1x16xi32>,
      %swap3A_219 = vector.shape_cast %swap3A_218 : vector<1x16xi32> to vector<16xi32>
      %swap3A_220 = vector.shape_cast %add3A_215 : vector<16xi32> to vector<1x16xi32>
      tpu.vector_store %arg6[%swap3A_216, %swap3A_217], %swap3A_220 {strides = array<i32>} : memref<832x32xi32, #tpu.memory_space<vmem>>, vector<1x16xi32>,
      %scan3A_221 = arith.constant 4 : i32
      %scan3A_222 = arith.addi %scan3A_128, %scan3A_221 : i32
      %get3A_223 = arith.index_cast %scan3A_222 : i32 to index
      %get3A_224 = arith.constant 0 : index
      %get3A_225 = tpu.vector_load %arg6[%get3A_223, %get3A_224] {strides = array<i32>} : memref<832x32xi32, #tpu.memory_space<vmem>>, vector<1x16xi32>,
      %get3A_226 = vector.shape_cast %get3A_225 : vector<1x16xi32> to vector<16xi32>
      %add3A_227 = vector.broadcast %scan3A_120 : i32 to vector<16xi32>
      %add3A_228 = arith.addi %get3A_226, %add3A_227 : vector<16xi32>
      %swap3A_229 = arith.index_cast %scan3A_222 : i32 to index
      %swap3A_230 = arith.constant 0 : index
      %swap3A_231 = tpu.vector_load %arg6[%swap3A_229, %swap3A_230] {strides = array<i32>} : memref<832x32xi32, #tpu.memory_space<vmem>>, vector<1x16xi32>,
      %swap3A_232 = vector.shape_cast %swap3A_231 : vector<1x16xi32> to vector<16xi32>
      %swap3A_233 = vector.shape_cast %add3A_228 : vector<16xi32> to vector<1x16xi32>
      tpu.vector_store %arg6[%swap3A_229, %swap3A_230], %swap3A_233 {strides = array<i32>} : memref<832x32xi32, #tpu.memory_space<vmem>>, vector<1x16xi32>,
      %get3A_234 = arith.index_cast %scan3A_222 : i32 to index
      %get3A_235 = arith.constant 16 : index
      %get3A_236 = tpu.vector_load %arg6[%get3A_234, %get3A_235] {strides = array<i32>} : memref<832x32xi32, #tpu.memory_space<vmem>>, vector<1x16xi32>,
      %get3A_237 = vector.shape_cast %get3A_236 : vector<1x16xi32> to vector<16xi32>
      %add3A_238 = vector.broadcast %scan3A_120 : i32 to vector<16xi32>
      %add3A_239 = arith.addi %get3A_237, %add3A_238 : vector<16xi32>
      %swap3A_240 = arith.index_cast %scan3A_222 : i32 to index
      %swap3A_241 = arith.constant 16 : index
      %swap3A_242 = tpu.vector_load %arg6[%swap3A_240, %swap3A_241] {strides = array<i32>} : memref<832x32xi32, #tpu.memory_space<vmem>>, vector<1x16xi32>,
      %swap3A_243 = vector.shape_cast %swap3A_242 : vector<1x16xi32> to vector<16xi32>
      %swap3A_244 = vector.shape_cast %add3A_239 : vector<16xi32> to vector<1x16xi32>
      tpu.vector_store %arg6[%swap3A_240, %swap3A_241], %swap3A_244 {strides = array<i32>} : memref<832x32xi32, #tpu.memory_space<vmem>>, vector<1x16xi32>,
      %scan3A_245 = arith.constant 5 : i32
      %scan3A_246 = arith.addi %scan3A_128, %scan3A_245 : i32
      %get3A_247 = arith.index_cast %scan3A_246 : i32 to index
      %get3A_248 = arith.constant 0 : index
      %get3A_249 = tpu.vector_load %arg6[%get3A_247, %get3A_248] {strides = array<i32>} : memref<832x32xi32, #tpu.memory_space<vmem>>, vector<1x16xi32>,
      %get3A_250 = vector.shape_cast %get3A_249 : vector<1x16xi32> to vector<16xi32>
      %add3A_251 = vector.broadcast %scan3A_120 : i32 to vector<16xi32>
      %add3A_252 = arith.addi %get3A_250, %add3A_251 : vector<16xi32>
      %swap3A_253 = arith.index_cast %scan3A_246 : i32 to index
      %swap3A_254 = arith.constant 0 : index
      %swap3A_255 = tpu.vector_load %arg6[%swap3A_253, %swap3A_254] {strides = array<i32>} : memref<832x32xi32, #tpu.memory_space<vmem>>, vector<1x16xi32>,
      %swap3A_256 = vector.shape_cast %swap3A_255 : vector<1x16xi32> to vector<16xi32>
      %swap3A_257 = vector.shape_cast %add3A_252 : vector<16xi32> to vector<1x16xi32>
      tpu.vector_store %arg6[%swap3A_253, %swap3A_254], %swap3A_257 {strides = array<i32>} : memref<832x32xi32, #tpu.memory_space<vmem>>, vector<1x16xi32>,
      %get3A_258 = arith.index_cast %scan3A_246 : i32 to index
      %get3A_259 = arith.constant 16 : index
      %get3A_260 = tpu.vector_load %arg6[%get3A_258, %get3A_259] {strides = array<i32>} : memref<832x32xi32, #tpu.memory_space<vmem>>, vector<1x16xi32>,
      %get3A_261 = vector.shape_cast %get3A_260 : vector<1x16xi32> to vector<16xi32>
      %add3A_262 = vector.broadcast %scan3A_120 : i32 to vector<16xi32>
      %add3A_263 = arith.addi %get3A_261, %add3A_262 : vector<16xi32>
      %swap3A_264 = arith.index_cast %scan3A_246 : i32 to index
      %swap3A_265 = arith.constant 16 : index
      %swap3A_266 = tpu.vector_load %arg6[%swap3A_264, %swap3A_265] {strides = array<i32>} : memref<832x32xi32, #tpu.memory_space<vmem>>, vector<1x16xi32>,
      %swap3A_267 = vector.shape_cast %swap3A_266 : vector<1x16xi32> to vector<16xi32>
      %swap3A_268 = vector.shape_cast %add3A_263 : vector<16xi32> to vector<1x16xi32>
      tpu.vector_store %arg6[%swap3A_264, %swap3A_265], %swap3A_268 {strides = array<i32>} : memref<832x32xi32, #tpu.memory_space<vmem>>, vector<1x16xi32>,
      %scan3A_269 = arith.constant 6 : i32
      %scan3A_270 = arith.addi %scan3A_128, %scan3A_269 : i32
      %get3A_271 = arith.index_cast %scan3A_270 : i32 to index
      %get3A_272 = arith.constant 0 : index
      %get3A_273 = tpu.vector_load %arg6[%get3A_271, %get3A_272] {strides = array<i32>} : memref<832x32xi32, #tpu.memory_space<vmem>>, vector<1x16xi32>,
      %get3A_274 = vector.shape_cast %get3A_273 : vector<1x16xi32> to vector<16xi32>
      %add3A_275 = vector.broadcast %scan3A_120 : i32 to vector<16xi32>
      %add3A_276 = arith.addi %get3A_274, %add3A_275 : vector<16xi32>
      %swap3A_277 = arith.index_cast %scan3A_270 : i32 to index
      %swap3A_278 = arith.constant 0 : index
      %swap3A_279 = tpu.vector_load %arg6[%swap3A_277, %swap3A_278] {strides = array<i32>} : memref<832x32xi32, #tpu.memory_space<vmem>>, vector<1x16xi32>,
      %swap3A_280 = vector.shape_cast %swap3A_279 : vector<1x16xi32> to vector<16xi32>
      %swap3A_281 = vector.shape_cast %add3A_276 : vector<16xi32> to vector<1x16xi32>
      tpu.vector_store %arg6[%swap3A_277, %swap3A_278], %swap3A_281 {strides = array<i32>} : memref<832x32xi32, #tpu.memory_space<vmem>>, vector<1x16xi32>,
      %get3A_282 = arith.index_cast %scan3A_270 : i32 to index
      %get3A_283 = arith.constant 16 : index
      %get3A_284 = tpu.vector_load %arg6[%get3A_282, %get3A_283] {strides = array<i32>} : memref<832x32xi32, #tpu.memory_space<vmem>>, vector<1x16xi32>,
      %get3A_285 = vector.shape_cast %get3A_284 : vector<1x16xi32> to vector<16xi32>
      %add3A_286 = vector.broadcast %scan3A_120 : i32 to vector<16xi32>
      %add3A_287 = arith.addi %get3A_285, %add3A_286 : vector<16xi32>
      %swap3A_288 = arith.index_cast %scan3A_270 : i32 to index
      %swap3A_289 = arith.constant 16 : index
      %swap3A_290 = tpu.vector_load %arg6[%swap3A_288, %swap3A_289] {strides = array<i32>} : memref<832x32xi32, #tpu.memory_space<vmem>>, vector<1x16xi32>,
      %swap3A_291 = vector.shape_cast %swap3A_290 : vector<1x16xi32> to vector<16xi32>
      %swap3A_292 = vector.shape_cast %add3A_287 : vector<16xi32> to vector<1x16xi32>
      tpu.vector_store %arg6[%swap3A_288, %swap3A_289], %swap3A_292 {strides = array<i32>} : memref<832x32xi32, #tpu.memory_space<vmem>>, vector<1x16xi32>,
      %scan3A_293 = arith.constant 7 : i32
      %scan3A_294 = arith.addi %scan3A_128, %scan3A_293 : i32
      %get3A_295 = arith.index_cast %scan3A_294 : i32 to index
      %get3A_296 = arith.constant 0 : index
      %get3A_297 = tpu.vector_load %arg6[%get3A_295, %get3A_296] {strides = array<i32>} : memref<832x32xi32, #tpu.memory_space<vmem>>, vector<1x16xi32>,
      %get3A_298 = vector.shape_cast %get3A_297 : vector<1x16xi32> to vector<16xi32>
      %add3A_299 = vector.broadcast %scan3A_120 : i32 to vector<16xi32>
      %add3A_300 = arith.addi %get3A_298, %add3A_299 : vector<16xi32>
      %swap3A_301 = arith.index_cast %scan3A_294 : i32 to index
      %swap3A_302 = arith.constant 0 : index
      %swap3A_303 = tpu.vector_load %arg6[%swap3A_301, %swap3A_302] {strides = array<i32>} : memref<832x32xi32, #tpu.memory_space<vmem>>, vector<1x16xi32>,
      %swap3A_304 = vector.shape_cast %swap3A_303 : vector<1x16xi32> to vector<16xi32>
      %swap3A_305 = vector.shape_cast %add3A_300 : vector<16xi32> to vector<1x16xi32>
      tpu.vector_store %arg6[%swap3A_301, %swap3A_302], %swap3A_305 {strides = array<i32>} : memref<832x32xi32, #tpu.memory_space<vmem>>, vector<1x16xi32>,
      %get3A_306 = arith.index_cast %scan3A_294 : i32 to index
      %get3A_307 = arith.constant 16 : index
      %get3A_308 = tpu.vector_load %arg6[%get3A_306, %get3A_307] {strides = array<i32>} : memref<832x32xi32, #tpu.memory_space<vmem>>, vector<1x16xi32>,
      %get3A_309 = vector.shape_cast %get3A_308 : vector<1x16xi32> to vector<16xi32>
      %add3A_310 = vector.broadcast %scan3A_120 : i32 to vector<16xi32>
      %add3A_311 = arith.addi %get3A_309, %add3A_310 : vector<16xi32>
      %swap3A_312 = arith.index_cast %scan3A_294 : i32 to index
      %swap3A_313 = arith.constant 16 : index
      %swap3A_314 = tpu.vector_load %arg6[%swap3A_312, %swap3A_313] {strides = array<i32>} : memref<832x32xi32, #tpu.memory_space<vmem>>, vector<1x16xi32>,
      %swap3A_315 = vector.shape_cast %swap3A_314 : vector<1x16xi32> to vector<16xi32>
      %swap3A_316 = vector.shape_cast %add3A_311 : vector<16xi32> to vector<1x16xi32>
      tpu.vector_store %arg6[%swap3A_312, %swap3A_313], %swap3A_316 {strides = array<i32>} : memref<832x32xi32, #tpu.memory_space<vmem>>, vector<1x16xi32>,
    }
    %scan3A_125 = arith.constant 640 : i32
    %add3A_126 = arith.constant 24960 : i32
    %add3A_127 = arith.addi %mul3A_2, %add3A_126 : i32
    "tpu.region"() ({
      %run_scoped3A = tpu.sem_alloc : memref<!tpu.dma_semaphore, #tpu.memory_space<semaphore_mem>>
      %dma_start3A_128 = arith.constant 0 : i32
      %dma_start3A_129 = arith.constant 0 : i32
      %dma_start3A_130 = tpu.memref_slice %arg6[%dma_start3A_128, %dma_start3A_129] : memref<832x32xi32, #tpu.memory_space<vmem>> -> memref<640x32xi32, #tpu.memory_space<vmem>>
      %dma_start3A_131 = arith.constant 0 : i32
      %dma_start3A_132 = tpu.memref_slice %arg4[%add3A_127, %dma_start3A_131] : memref<819200x32xi32, #tpu.memory_space<hbm>> -> memref<640x32xi32, #tpu.memory_space<hbm>>
      %dma_start3A_133 = arith.constant 0 : i32
      %dma_start3A_134 = tpu.memref_slice %arg4[%add3A_127, %dma_start3A_133] : memref<819200x32xi32, #tpu.memory_space<hbm>> -> memref<640x32xi32, #tpu.memory_space<hbm>>
      %dma_start3A_135 = arith.constant 0 : i32
      %dma_start3A_136 = arith.constant 0 : i32
      %dma_start3A_137 = tpu.memref_slice %arg6[%dma_start3A_135, %dma_start3A_136] : memref<832x32xi32, #tpu.memory_space<vmem>> -> memref<640x32xi32, #tpu.memory_space<vmem>>
      tpu.enqueue_dma source(%dma_start3A_137 : memref<640x32xi32, #tpu.memory_space<vmem>>) target(%dma_start3A_134 : memref<640x32xi32, #tpu.memory_space<hbm>>) target_semaphore(%run_scoped3A : memref<!tpu.dma_semaphore, #tpu.memory_space<semaphore_mem>>)
      %dma_wait3A_138 = arith.constant 0 : i32
      %dma_wait3A_139 = arith.constant 0 : i32
      %dma_wait3A_140 = tpu.memref_slice %arg6[%dma_wait3A_138, %dma_wait3A_139] : memref<832x32xi32, #tpu.memory_space<vmem>> -> memref<640x32xi32, #tpu.memory_space<vmem>>
      %dma_wait3A_141 = arith.constant 0 : i32
      %dma_wait3A_142 = tpu.memref_slice %arg4[%add3A_127, %dma_wait3A_141] : memref<819200x32xi32, #tpu.memory_space<hbm>> -> memref<640x32xi32, #tpu.memory_space<hbm>>
      %dma_wait3A_143 = arith.constant 0 : i32
      %dma_wait3A_144 = tpu.memref_slice %arg4[%add3A_127, %dma_wait3A_143] : memref<819200x32xi32, #tpu.memory_space<hbm>> -> memref<640x32xi32, #tpu.memory_space<hbm>>
      %dma_wait3A_145 = arith.constant 0 : i32
      %dma_wait3A_146 = arith.constant 0 : i32
      %dma_wait3A_147 = tpu.memref_slice %arg6[%dma_wait3A_145, %dma_wait3A_146] : memref<832x32xi32, #tpu.memory_space<vmem>> -> memref<640x32xi32, #tpu.memory_space<vmem>>
      tpu.wait_dma2 semaphore(%run_scoped3A : memref<!tpu.dma_semaphore, #tpu.memory_space<semaphore_mem>>) src(%dma_wait3A_147 : memref<640x32xi32, #tpu.memory_space<vmem>>) dst(%dma_wait3A_144 : memref<640x32xi32, #tpu.memory_space<hbm>>)
      tpu.yield
    }) : () -> ()
    return
  }
}

</mosaic_0001>

<sc_bundles>
// kernel: kernel.3.cloned.1.call-start
scs
__scs_entry_jumppad:
0x0: {  	(pc) =	sbr.rel $0x88, $3  }
0x1: {  	(tag) =	ssettag $0x0;
	lr =	simm.s32 $0x1  }
0x2: {  	[smem:$0x3F9F] =	sst lr;
	_ =	strace $0xD0000000  }
0x3: {  	_ = 	snop  }
0x4: {  	_ = 	snop  }
0x5: {  	_ = 	snop  }
0x6: {  	_ = 	snop  }
0x7: {  	_ = 	snop  }
__scs_overlays_trampoline_lowered:
0x8: {  	[smem:$0x3FAE] =	sst s0  }
0x9: {  	[smem:$0x3FAF] =	sst s1  }
0xa: {  	[smem:$0x3FB0] =	sst s2  }
0xb: {  	[smem:$0x3FB1] =	sst s3  }
0xc: {  	[smem:$0x3FB2] =	sst s4  }
0xd: {  	[smem:$0x3FB3] =	sst s5  }
0xe: {  	[smem:$0x3FB4] =	sst s6  }
0xf: {  	[smem:$0x3FB5] =	sst s7  }
0x10: {  	[smem:$0x3FB6] =	sst s8  }
0x11: {  	[smem:$0x3FB7] =	sst s9;
	s0 =	simm.s32 @!p0 $0x0  }
0x12: {  	s1 =	sld [smem:$0x3F9D];
	s0 =	simm.s32 @p0 $0x1  }
0x13: {  	[smem:$0x3FB8] =	sst s0;
	s0 =	simm.s32 @!p1 $0x0  }
0x14: {  	s2 =	sld [smem:$0x3F9C];
	s0 =	simm.s32 @p1 $0x1  }
0x15: {  	[smem:$0x3FB9] =	sst s0;
	s0 =	simm.s32 @!p2 $0x0  }
0x16: {  	s3 =	sld [smem:$0x3FDB];
	s0 =	simm.s32 @p2 $0x1  }
0x17: {  	s4 =	simm.s32 $0x1BF5;
	[smem:$0x3FBB] =	sst s0  }
0x18: {  	s0 =	sld [smem:$0x3F9E];
	_ =	swait.ge [sflag:s4], $0x0  }
0x19: {  	s7 =	sld [smem:$0x3F9F]  }
0x1a: {  	s8 =	sadd.s32 $0xFFFFE003, lr  }
0x1b: {  	s9 =	sadd.s32 $0xFFFFFEF7, lr;
	s5 =	simm.s32 $0xFFFFFFFF;
	p2 =	slt.u32 s8, $0xFFFFF086  }
0x1c: {  	p1 =	slt.u32 s9, $0xF7A;
	s5 =	simm.s32 @!p2 $0x0  }
0x1d: {  	s5 =	simm.s32 @p1 $0x1;
	p0 =	seq.s32 s7, s2  }
0x1e: {  	s7 =	smul.u32 @!p0 $0xF7A, s2;
	p2 =	seq.s32 @!p0 s5, $0x0  }
0x1f: {  	s9 =	smul.u32 $0xF7A, s1;
	s8 =	simm.s32 @!p0 $0x1BF5;
	p2 =	por !p2, p0  }
0x20: {  	[sflag:s8] =	ssyncset.s32 @!p0 $0xFFFFF086;
	s6 =	sadd.s32 @!p0 s3, s7;
	s7 =	simm.s32 @!p0 $0x108  }
0x21: {  	s3 =	sadd.s32 s3, s9;
	s6 =	sadd.s32 @!p0 $0x88, s6;
	s7 =	simm.s32 @p2 $0x1082  }
0x22: {  	[simem:s7], [sflag:s8] =	dma.local @!p0 [hbm:s6], $0xF7A  }
0x23: {  	s9 =	sor.u32 $0xD0000000, s2;
	s6 =	simm.s32 $0x108;
	_ =	swait.ge @!p0 [sflag:s8], $0x0  }
0x24: {  	s3 =	sadd.s32 $0x88, s3;
	s6 =	simm.s32 @!p1 $0x1082;
	[sflag:s4] =	ssyncset.s32 $0xFFFFF086  }
0x25: {  	[simem:s6], [sflag:s4] =	dma.local [hbm:s3], $0xF7A  }
0x26: {  	[smem:$0x3F9F] =	sst s1;
	(tag) =	ssettag s2;
	_ =	strace s9  }
0x27: {  	s1 =	sld [smem:$0x3FAF]  }
0x28: {  	s2 =	sld [smem:$0x3FB0]  }
0x29: {  	s4 =	sld [smem:$0x3FB2]  }
0x2a: {  	p0 =	seq.s32 s5, $0x0;
	s5 =	sld [smem:$0x3FB3]  }
0x2b: {  	s6 =	sld [smem:$0x3FB4]  }
0x2c: {  	s7 =	sld [smem:$0x3FB5]  }
0x2d: {  	s3 =	simm.s32 $0x108;
	s8 =	sld [smem:$0x3FB6]  }
0x2e: {  	s3 =	simm.s32 @!p0 $0x1082;
	s9 =	sld [smem:$0x3FB7]  }
0x2f: {  	lr =	sadd.s32 s0, s3;
	s0 =	sld [smem:$0x3FAE]  }
0x30: {  	s3 =	sld [smem:$0x3FB1]  }
0x31: {  	[smem:$0x3FBA] =	sst s10  }
0x32: {  	s10 =	sld [smem:$0x3FB8];
	_ =	sdelay $0x3  }
0x33: {  	p0 =	seq.s32 s10, $0x1;
	s10 =	sld [smem:$0x3FBA];
	_ =	sdelay $0x3  }
0x34: {  	[smem:$0x3FBA] =	sst s10  }
0x35: {  	s10 =	sld [smem:$0x3FB9];
	_ =	sdelay $0x3  }
0x36: {  	p1 =	seq.s32 s10, $0x1;
	s10 =	sld [smem:$0x3FBA];
	_ =	sdelay $0x3  }
0x37: {  	[smem:$0x3FBA] =	sst s10  }
0x38: {  	s10 =	sld [smem:$0x3FBB]  }
0x39: {  	_ = 	snop;
	(pc) =	sbr.ind lr, $3  }
0x3a: {  	_ = 	snop  }
0x3b: {  	_ = 	snop  }
0x3c: {  	p2 =	seq.s32 s10, $0x1;
	s10 =	sld [smem:$0x3FBA]  }
0x3d: {  	_ =	shalt  }
0x3e: {  	_ =	shalt  }
0x3f: {  	_ =	shalt  }
0x40: {  	_ =	shalt  }
0x41: {  	_ =	shalt  }
0x42: {  	_ =	shalt  }
0x43: {  	_ =	shalt  }
0x44: {  	_ =	shalt  }
0x45: {  	_ =	shalt  }
0x46: {  	_ =	shalt  }
0x47: {  	_ =	shalt  }
0x48: {  	_ =	shalt  }
0x49: {  	_ =	shalt  }
0x4a: {  	_ =	shalt  }
0x4b: {  	_ =	shalt  }
0x4c: {  	_ =	shalt  }
0x4d: {  	_ =	shalt  }
0x4e: {  	_ =	shalt  }
0x4f: {  	_ =	shalt  }
0x50: {  	_ =	shalt  }
0x51: {  	_ =	shalt  }
0x52: {  	_ =	shalt  }
0x53: {  	_ =	shalt  }
0x54: {  	_ =	shalt  }
0x55: {  	_ =	shalt  }
0x56: {  	_ =	shalt  }
0x57: {  	_ =	shalt  }
0x58: {  	_ =	shalt  }
0x59: {  	_ =	shalt  }
0x5a: {  	_ =	shalt  }
0x5b: {  	_ =	shalt  }
0x5c: {  	_ =	shalt  }
0x5d: {  	_ =	shalt  }
0x5e: {  	_ =	shalt  }
0x5f: {  	_ =	shalt  }
0x60: {  	_ =	shalt  }
0x61: {  	_ =	shalt  }
0x62: {  	_ =	shalt  }
0x63: {  	_ =	shalt  }
0x64: {  	_ =	shalt  }
0x65: {  	_ =	shalt  }
0x66: {  	_ =	shalt  }
0x67: {  	_ =	shalt  }
0x68: {  	_ =	shalt  }
0x69: {  	_ =	shalt  }
0x6a: {  	_ =	shalt  }
0x6b: {  	_ =	shalt  }
0x6c: {  	_ =	shalt  }
0x6d: {  	_ =	shalt  }
0x6e: {  	_ =	shalt  }
0x6f: {  	_ =	shalt  }
0x70: {  	_ =	shalt  }
0x71: {  	_ =	shalt  }
0x72: {  	_ =	shalt  }
0x73: {  	_ =	shalt  }
0x74: {  	_ =	shalt  }
0x75: {  	_ =	shalt  }
0x76: {  	_ =	shalt  }
0x77: {  	_ =	shalt  }
0x78: {  	_ =	shalt  }
0x79: {  	_ =	shalt  }
0x7a: {  	_ =	shalt  }
0x7b: {  	_ =	shalt  }
0x7c: {  	_ =	shalt  }
0x7d: {  	_ =	shalt  }
0x7e: {  	_ =	shalt  }
0x7f: {  	_ =	shalt  }
0x80: {  	_ =	shalt  }
0x81: {  	_ =	shalt  }
0x82: {  	_ =	shalt  }
0x83: {  	_ =	shalt  }
0x84: {  	_ =	shalt  }
0x85: {  	_ =	shalt  }
0x86: {  	_ =	shalt  }
0x87: {  	_ =	shalt  }
.Lfunc_end0:
.L_simem_size_0:
called_computation.1_lowered:
.L_overlay_start_0:
0x88: {  	s2 =	sld [smem:$0x3FD9]  }
0x89: {  	s3 =	sld [smem:$0x3FFE];
	_ =	sdelay $0x1  }
0x8a: {  	s1 =	srdreg.scid  }
0x8b: {  	s0 =	sand.u32 $0x1, s1  }
0x8c: {  	s17 =	sshll.u32 s0, $0xA;
	s2 =	sadd.s32 s3, s2  }
0x8d: {  	s2 =	sadd.s32 s2, s17  }
0x8e: {  	[smem:$0x3FC6] =	sst s2  }
0x8f: {  	_ = 	snop  }
0x90: {  	s2 =	sld [smem:$0x3FD0];
	(tm) =	ssettm $0x1  }
0x91: {  	s18 =	sld [smem:$0x3FFB];
	_ =	sdelay $0x3  }
0x92: {  	_ =	strace s18  }
0x93: {  	s3 =	sld [smem:$0x3FFC];
	_ =	sdelay $0x3  }
0x94: {  	_ =	strace s3  }
0x95: {  	s3 =	sld [smem:$0x3FFD];
	_ =	sdelay $0x3  }
0x96: {  	_ =	strace s3  }
0x97: {  	_ =	strace $0x8FFFFFFF  }
0x98: {  	s19 =	sld [smem:$0x3FDB];
	_ =	sdelay $0x1  }
0x99: {  	s4 =	simm.s32 $_scs_section_size  }
0x9a: {  	s5 =	simm.s32 $_size__tile_overlayer_lowered;
	s6 =	simm.s32 $_tile_overlayer_lowered  }
0x9b: {  	s22 =	simm.s32 $0x1BFF;
	s21 =	sshll.u32 s6, $0x1;
	s3 =	sadd.s32 s4, s19  }
0x9c: {  	s7 =	simm.s32 $0x0;
	s20 =	sshll.u32 s5, $0x1;
	s5 =	sadd.s32 s21, s3  }
0x9d: {  	[timem:s7], [sflag:s22] =	dma.local [hbm:s5], s20  }
0x9e: {  	_ =	swait.ge [sflag:s22], s20  }
0x9f: {  	s4 =	ssub.s32 $0x0, s20;
	[sflag:s22] =	ssyncset.done $0x0  }
0xa0: {  	[sflag:s22] =	ssyncadd.s32 s4;
	_ =	sdelay $0x1  }
0xa1: {  	s23 =	simm.s32 $0x1B8B  }
0xa2: {  	_ =	swait.ge [sflag:s23], $0x1  }
0xa3: {  	[sflag:s23] =	ssyncset.done $0x0  }
0xa4: {  	s25 =	simm.s32 $0x1B8E;
	s24 =	sld [smem:$0x3FFE];
	[sflag:s23] =	ssyncadd.s32 $0xFFFFFFFF  }
0xa5: {  	s26 =	simm.s32 $execute0_lowered;
	[smem:$0x3FD2] =	sst s25  }
0xa6: {  	s5 =	sshll.u32 s26, $0x1;
	_ =	strace $0x80000046;
	[dreg:$0x1] =	wrdreg $0xFFFFFFFF  }
0xa7: {  	s28 =	simm.s32 $_size_execute0_lowered;
	s3 =	sadd.s32 s3, s5;
	[dreg:$0x0] =	wrdreg $0x0  }
0xa8: {  	s5 =	sshll.u32 s28, $0x1;
	[dreg:$0x2] =	wrdreg s3  }
0xa9: {  	[dreg:$0x3] =	wrdreg s5  }
0xaa: {  	[dreg:$0x4] =	wrdreg $0xC0  }
0xab: {  	_ =	task [dreg:s7], $0x5FFFF  }
0xac: {  	[dreg:$0x1] =	wrdreg $0xFFFFFFFF  }
0xad: {  	[dreg:$0x0] =	wrdreg $0x60  }
0xae: {  	[dreg:$0x2] =	wrdreg s24  }
0xaf: {  	[dreg:$0x3] =	wrdreg s2  }
0xb0: {  	[dreg:$0x4] =	wrdreg $0x9  }
0xb1: {  	_ =	task.clear_ibuf [dreg:s7], $0x5FFFF;
	_ =	strace $0x90000046  }
0xb2: {  	s29 =	simm.s32 $0x9;
	_ =	strace $0x80000048  }
0xb3: {  	_ =	swait.ge [sflag:s29], $0x1  }
0xb4: {  	[sflag:s29] =	ssyncadd.s32 $0xFFFFFFFF  }
0xb5: {  	_ =	strace $0x90000048  }
0xb6: {  	_ =	sfence  }
0xb7: {  	s30 =	sld [smem:$0x0];
	_ =	sdelay $0x2  }
0xb8: {  	s31 =	sshll.u32 s1, $0xD;
	s1 =	sshrl.u32 s1, $0x2  }
0xb9: {  	s3 =	sand.u32 $0x4000, s31;
	s1 =	sadd.s32 s1, s30  }
0xba: {  	s0 =	sor.u32 s3, s0;
	s1 =	sshll.u32 s1, $0x11  }
0xbb: {  	s0 =	sor.u32 s1, s0  }
0xbc: {  	s0 =	sadd.s32 $0x8F2B, s0  }
0xbd: {  	[sflag:s0] =	ssyncadd.remote.s32 $0x1  }
0xbe: {  	_ =	sfence.sel $0xFFFF  }
0xbf: {  	[dreg:$0x0] =	wrdreg $0xFFFFFFFF;
	(pc) =	sbr.abs _section_cstart, $3  }
0xc0: {  	[dreg:$0x1] =	wrdreg $0xFFFFFFFF  }
0xc1: {  	_ =	task.clear_ibuf [dreg:s7], $0x2FFFF;
	_ =	strace $0x9FFFFFFF  }
0xc2: {  	(tm) =	ssettm $0x7FFFFFFF  }
0xc3: {  	_ =	shalt  }
tec
execute0_lowered:
.L_overlay_start_1:
0x0: {  	(tag) =	ssettag $0x1  }
0x1: {  	s0 =	srdreg.scid  }
0x2: {  	s2 =	stileid.u32;
	s1 =	rddreg [dreg:$0x0]  }
0x3: {  	s9 =	simm.s32 $0x2;
	s10 =	simm.s32 $0x68;
	s11 =	simm.s32 $0x6400  }
0x4: {  	s12 =	simm.s32 $0x7100;
	s13 =	simm.s32 $0x7E00;
	s14 =	simm.s32 $0x8B00  }
0x5: {  	s15 =	simm.s32 $0x9800;
	s16 =	simm.s32 $0xA500;
	s17 =	simm.s32 $0xB200  }
0x6: {  	s18 =	simm.s32 $0xBF00;
	s19 =	simm.s32 $0x1;
	s21 =	simm.s32 $0x61E8  }
0x7: {  	s22 =	simm.s32 $0x6250;
	s23 =	simm.s32 $0x62B8;
	s24 =	simm.s32 $0x6320  }
0x8: {  	s25 =	simm.s32 $0x6388;
	s0 =	sand.u32 $0x1, s0;
	s3 =	sshll.u32 s2, $0x1  }
0x9: {  	s26 =	simm.s32 $0x10;
	s28 =	simm.s32 $0x63F0;
	s5 =	sor.u32 s0, s3  }
0xa: {  	s29 =	simm.s32 $0x0;
	s3 =	simm.s32 $0x0;
	s4 =	smul.u32 $0x6400, s5  }
0xb: {  	s0 =	ssub.s32 $0x2, s0;
	[smem:$0x7FF] =	sst s3;
	s5 =	smul.u32 $0xC8000, s5  }
0xc: {  	s2 =	rddreg [dreg:$0x1];
	s31 =	sshrl.u32 s0, $0x1;
	_ =	strace $0x80000047  }
0xd: {  	s0 =	ssub.s32 s0, s31;
	s6 =	sshrl.u32 s4, $0x3;
	s7 =	sshrl.u32 s5, $0x3  }
0xe: {  	s5 =	sadd.s32 $0x1B600, s1;
	s6 =	sadd.s32 s6, s1;
	s7 =	sadd.s32 s2, s7  }
0xf: {  	s8 =	smax.u32 s0, $0x1;
	s6 =	sadd.s32 $0x2600, s6;
	s7 =	sadd.s32 $0x18600, s7  }
.LBB2_1:
0x10: {  	[tilespmem:s3], [sflag:$0x2] =	stream.linear.gather [hbm4b:s6+s3], $0x6400, $0x38;
	[tilespmem:$0xCC00] =	vst v63  }
0x11: {  	_ =	swait.ge [sflag:s9], $0x6400  }
0x12: {  	[sflag:s9] =	ssyncset.done $0x0  }
0x13: {  	s30 =	simm.s32 $0x0;
	[sflag:s9] =	ssyncadd.s32 $0xFFFF9C00  }
.LBB2_2:
0x14: {  	s31 =	smul.u32 $0x340, s30;
	_ =	sdelay $0x1  }
0x15: {  	[tilespmem:s11], [sflag:$0x1] =	stream.indirect.gather [hbm4b:s5+s10], $0x20, s31, s10, $0xb8;
	[tilespmem:$0xCC00] =	vst v63  }
0x16: {  	s0 =	sadd.s32 $0x68, s31  }
0x17: {  	[tilespmem:s12], [sflag:$0x1] =	stream.indirect.gather [hbm4b:s5+s10], $0x20, s0, s10, $0xb8;
	[tilespmem:$0xCC00] =	vst v63  }
0x18: {  	s1 =	sadd.s32 $0xD0, s31  }
0x19: {  	[tilespmem:s13], [sflag:$0x1] =	stream.indirect.gather [hbm4b:s5+s10], $0x20, s1, s10, $0xb8;
	[tilespmem:$0xCC00] =	vst v63  }
0x1a: {  	s20 =	sadd.s32 $0x138, s31  }
0x1b: {  	[tilespmem:s14], [sflag:$0x1] =	stream.indirect.gather [hbm4b:s5+s10], $0x20, s20, s10, $0xb8;
	[tilespmem:$0xCC00] =	vst v63  }
0x1c: {  	s1 =	sadd.s32 $0x1A0, s31  }
0x1d: {  	[tilespmem:s15], [sflag:$0x1] =	stream.indirect.gather [hbm4b:s5+s10], $0x20, s1, s10, $0xb8;
	[tilespmem:$0xCC00] =	vst v63  }
0x1e: {  	s20 =	sadd.s32 $0x208, s31  }
0x1f: {  	[tilespmem:s16], [sflag:$0x1] =	stream.indirect.gather [hbm4b:s5+s10], $0x20, s20, s10, $0xb8;
	[tilespmem:$0xCC00] =	vst v63  }
0x20: {  	s1 =	sadd.s32 $0x270, s31  }
0x21: {  	[tilespmem:s17], [sflag:$0x1] =	stream.indirect.gather [hbm4b:s5+s10], $0x20, s1, s10, $0xb8;
	[tilespmem:$0xCC00] =	vst v63  }
0x22: {  	s20 =	sadd.s32 $0x2D8, s31  }
0x23: {  	[tilespmem:s18], [sflag:$0x1] =	stream.indirect.gather [hbm4b:s5+s10], $0x20, s20, s10, $0xb8;
	[tilespmem:$0xCC00] =	vst v63  }
0x24: {  	_ =	swait.ge [sflag:s19], $0xD00  }
0x25: {  	[sflag:s19] =	ssyncset.done $0x0  }
0x26: {  	[sflag:s19] =	ssyncadd.s32 $0xFFFFF300  }
0x27: {  	_ =	swait.ge [sflag:s19], $0xD00  }
0x28: {  	[sflag:s19] =	ssyncset.done $0x0  }
0x29: {  	[sflag:s19] =	ssyncadd.s32 $0xFFFFF300  }
0x2a: {  	_ =	swait.ge [sflag:s19], $0xD00  }
0x2b: {  	[sflag:s19] =	ssyncset.done $0x0  }
0x2c: {  	[sflag:s19] =	ssyncadd.s32 $0xFFFFF300  }
0x2d: {  	_ =	swait.ge [sflag:s19], $0xD00  }
0x2e: {  	[sflag:s19] =	ssyncset.done $0x0  }
0x2f: {  	[sflag:s19] =	ssyncadd.s32 $0xFFFFF300  }
0x30: {  	_ =	swait.ge [sflag:s19], $0xD00  }
0x31: {  	[sflag:s19] =	ssyncset.done $0x0  }
0x32: {  	[sflag:s19] =	ssyncadd.s32 $0xFFFFF300  }
0x33: {  	_ =	swait.ge [sflag:s19], $0xD00  }
0x34: {  	[sflag:s19] =	ssyncset.done $0x0  }
0x35: {  	[sflag:s19] =	ssyncadd.s32 $0xFFFFF300  }
0x36: {  	_ =	swait.ge [sflag:s19], $0xD00  }
0x37: {  	[sflag:s19] =	ssyncset.done $0x0  }
0x38: {  	[sflag:s19] =	ssyncadd.s32 $0xFFFFF300  }
0x39: {  	_ =	swait.ge [sflag:s19], $0xD00  }
0x3a: {  	[sflag:s19] =	ssyncset.done $0x0  }
0x3b: {  	s1 =	simm.s32 $0x6480;
	[sflag:s19] =	ssyncadd.s32 $0xFFFFF300  }
0x3c: {  	v0 =	vld [tilespmem:s1+$0xFFFFFF80]  }
0x3d: {  	v1 =	vld [tilespmem:s1+$0xFFFFFF90]  }
0x3e: {  	v2 =	vld [tilespmem:s1+$0xFFFFFFA0]  }
0x3f: {  	v3 =	vld [tilespmem:s1+$0xFFFFFFB0]  }
0x40: {  	v4 =	vld [tilespmem:s1+$0xFFFFFFC0]  }
0x41: {  	v5 =	vld [tilespmem:s1+$0xFFFFFFD0];
	v0 =	vadd.s32 $0x1800180, v0  }
0x42: {  	[tilespmem:s1+$0xFFFFFF80] =	vst v0;
	v0 =	vadd.s32 $0x1800180, v1;
	v1 =	vld [tilespmem:s1+$0xFFFFFFE0]  }
0x43: {  	[tilespmem:s1+$0xFFFFFF90] =	vst v0;
	v0 =	vadd.s32 $0x1800180, v2;
	v2 =	vld [tilespmem:s1+$0x0]  }
0x44: {  	[tilespmem:s1+$0xFFFFFFA0] =	vst v0;
	v0 =	vadd.s32 $0x1800180, v3;
	v3 =	vld [tilespmem:s1+$0x10]  }
0x45: {  	[tilespmem:s1+$0xFFFFFFB0] =	vst v0;
	v0 =	vadd.s32 $0x1800180, v4;
	v4 =	vld [tilespmem:s1+$0x20]  }
0x46: {  	[tilespmem:s1+$0xFFFFFFC0] =	vst v0;
	v0 =	vadd.s32 $0x1800180, v5;
	v5 =	vld [tilespmem:s1+$0x30]  }
0x47: {  	[tilespmem:s1+$0xFFFFFFD0] =	vst v0;
	v1 =	vadd.s32 $0x1800180, v1;
	v0 =	vld [tilespmem:s1+$0x40]  }
0x48: {  	[tilespmem:s1+$0xFFFFFFE0] =	vst v1;
	v2 =	vadd.s32 $0x1800180, v2;
	v1 =	vld [tilespmem:s1+$0x50]  }
0x49: {  	[tilespmem:s1+$0x0] =	vst v2;
	v2 =	vadd.s32 $0x1800180, v3;
	v3 =	vld [tilespmem:s1+$0x60]  }
0x4a: {  	[tilespmem:s1+$0x10] =	vst v2;
	v6 =	vadd.s32 $0x1800180, v4;
	v4 =	vld [tilespmem:s1+$0x70]  }
0x4b: {  	s0 =	simm.s32 $0x0;
	s20 =	simm.s32 $0x6580;
	v2 =	vld [tilespmem:s1+$0xFFFFFFF0];
	[tilespmem:s1+$0x20] =	vst v6;
	v5 =	vadd.s32 $0x1800180, v5  }
.LBB2_3:
0x4c: {  	v6 =	vld [tilespmem:s20+$0xFFFFFF80];
	[tilespmem:s1+$0x30] =	vst v5;
	v0 =	vadd.s32 $0x1800180, v0  }
0x4d: {  	v5 =	vld [tilespmem:s20+$0xFFFFFF90];
	[tilespmem:s1+$0x40] =	vst v0;
	v0 =	vadd.s32 $0x1800180, v1  }
0x4e: {  	v1 =	vld [tilespmem:s20+$0xFFFFFFA0];
	[tilespmem:s1+$0x50] =	vst v0;
	v0 =	vadd.s32 $0x1800180, v3  }
0x4f: {  	v3 =	vld [tilespmem:s20+$0xFFFFFFB0];
	[tilespmem:s1+$0x60] =	vst v0;
	v0 =	vadd.s32 $0x1800180, v4  }
0x50: {  	v4 =	vld [tilespmem:s20+$0xFFFFFFC0];
	v2 =	vadd.s32 $0x1800180, v2;
	[tilespmem:s1+$0x70] =	vst v0  }
0x51: {  	v0 =	vadd.s32 $0x1800180, v6;
	v6 =	vld [tilespmem:s20+$0xFFFFFFD0];
	[tilespmem:s1+$0xFFFFFFF0] =	vst v2;
	s1 =	smov.u32 s20  }
0x52: {  	[tilespmem:s20+$0xFFFFFF80] =	vst v0;
	v0 =	vadd.s32 $0x1800180, v5;
	v2 =	vld [tilespmem:s20+$0xFFFFFFE0]  }
0x53: {  	[tilespmem:s20+$0xFFFFFF90] =	vst v0;
	v0 =	vadd.s32 $0x1800180, v1;
	v1 =	vld [tilespmem:s20+$0x0]  }
0x54: {  	[tilespmem:s20+$0xFFFFFFA0] =	vst v0;
	v0 =	vadd.s32 $0x1800180, v3;
	v3 =	vld [tilespmem:s20+$0x10]  }
0x55: {  	s0 =	sadd.s32 $0x8, s0;
	[tilespmem:s20+$0xFFFFFFB0] =	vst v0;
	v0 =	vadd.s32 $0x1800180, v4;
	v4 =	vld [tilespmem:s20+$0x20]  }
0x56: {  	p0 =	slt.u32 s0, $0x338;
	[tilespmem:s20+$0xFFFFFFC0] =	vst v0;
	v0 =	vadd.s32 $0x1800180, v6;
	v5 =	vld [tilespmem:s20+$0x30]  }
.Ltmp0:
0x57: {  	[tilespmem:s20+$0xFFFFFFD0] =	vst v0;
	v2 =	vadd.s32 $0x1800180, v2;
	v0 =	vld [tilespmem:s20+$0x40];
	(pc) =	sbr.rel @p0 .LBB2_3-.Ltmp0, $4  }
0x58: {  	[tilespmem:s20+$0xFFFFFFE0] =	vst v2;
	v2 =	vadd.s32 $0x1800180, v1;
	v1 =	vld [tilespmem:s20+$0x50]  }
0x59: {  	[tilespmem:s20+$0x0] =	vst v2;
	v2 =	vadd.s32 $0x1800180, v3;
	v3 =	vld [tilespmem:s20+$0x60]  }
0x5a: {  	[tilespmem:s20+$0x10] =	vst v2;
	v6 =	vadd.s32 $0x1800180, v4;
	v4 =	vld [tilespmem:s20+$0x70]  }
0x5b: {  	s20 =	sadd.s32 $0x100, s20;
	v2 =	vld [tilespmem:s1+$0xFFFFFFF0];
	[tilespmem:s1+$0x20] =	vst v6;
	v5 =	vadd.s32 $0x1800180, v5  }
0x5c: {  	[tilespmem:s1+$0x30] =	vst v5;
	v0 =	vadd.s32 $0x1800180, v0  }
0x5d: {  	[tilespmem:s1+$0x40] =	vst v0;
	v60 =	vadd.s32 $0x1800180, v1  }
0x5e: {  	[tilespmem:s1+$0x50] =	vst v60;
	v61 =	vadd.s32 $0x1800180, v3  }
0x5f: {  	s0 =	sadd.s32 s4, s31;
	s30 =	sadd.s32 $0x1, s30;
	[tilespmem:s1+$0x60] =	vst v61;
	v62 =	vadd.s32 $0x1800180, v4  }
0x60: {  	s0 =	sshll.u32 s0, $0x2;
	p0 =	sne.s32 s30, $0x1E;
	v63 =	vadd.s32 $0x1800180, v2;
	[tilespmem:s1+$0x70] =	vst v62  }
.Ltmp1:
0x61: {  	s0 =	sadd.s32 s2, s0;
	[tilespmem:s1+$0xFFFFFFF0] =	vst v63;
	(pc) =	sbr.rel @p0 .LBB2_2-.Ltmp1, $4  }
0x62: {  	[hbm4b:s0+s3] =	stream.linear.scatter [tilespmem:s11], [sflag:$0x2], $0x6800, $0x38;
	[tilespmem:$0xCC00] =	vst v63  }
0x63: {  	_ =	swait.ge [sflag:s9], $0x6800  }
0x64: {  	[sflag:s9] =	ssyncset.done $0x0  }
0x65: {  	[sflag:s9] =	ssyncadd.s32 $0xFFFF9800  }
0x66: {  	s0 =	simm.s32 $0x6180  }
0x67: {  	[tilespmem:s11], [sflag:$0x1] =	stream.indirect.gather [hbm4b:s5+s10], $0x20, s0, s10, $0xb8;
	[tilespmem:$0xCC00] =	vst v63  }
0x68: {  	_ = 	snop  }
0x69: {  	[tilespmem:s12], [sflag:$0x1] =	stream.indirect.gather [hbm4b:s5+s10], $0x20, s21, s10, $0xb8;
	[tilespmem:$0xCC00] =	vst v63  }
0x6a: {  	_ = 	snop  }
0x6b: {  	[tilespmem:s13], [sflag:$0x1] =	stream.indirect.gather [hbm4b:s5+s10], $0x20, s22, s10, $0xb8;
	[tilespmem:$0xCC00] =	vst v63  }
0x6c: {  	_ = 	snop  }
0x6d: {  	[tilespmem:s14], [sflag:$0x1] =	stream.indirect.gather [hbm4b:s5+s10], $0x20, s23, s10, $0xb8;
	[tilespmem:$0xCC00] =	vst v63  }
0x6e: {  	_ = 	snop  }
0x6f: {  	[tilespmem:s15], [sflag:$0x1] =	stream.indirect.gather [hbm4b:s5+s10], $0x20, s24, s10, $0xb8;
	[tilespmem:$0xCC00] =	vst v63  }
0x70: {  	_ = 	snop  }
0x71: {  	[tilespmem:s16], [sflag:$0x1] =	stream.indirect.gather [hbm4b:s5+s10], $0x20, s25, s10, $0xb8;
	[tilespmem:$0xCC00] =	vst v63  }
0x72: {  	_ = 	snop  }
0x73: {  	[tilespmem:s17], [sflag:$0x1] =	stream.indirect.gather [hbm4b:s5+s26], $0x20, s28, s26, $0xb8;
	[tilespmem:$0xCC00] =	vst v63  }
0x74: {  	_ =	swait.ge [sflag:s19], $0xD00  }
0x75: {  	[sflag:s19] =	ssyncset.done $0x0  }
0x76: {  	[sflag:s19] =	ssyncadd.s32 $0xFFFFF300  }
0x77: {  	_ =	swait.ge [sflag:s19], $0xD00  }
0x78: {  	[sflag:s19] =	ssyncset.done $0x0  }
0x79: {  	[sflag:s19] =	ssyncadd.s32 $0xFFFFF300  }
0x7a: {  	_ =	swait.ge [sflag:s19], $0xD00  }
0x7b: {  	[sflag:s19] =	ssyncset.done $0x0  }
0x7c: {  	[sflag:s19] =	ssyncadd.s32 $0xFFFFF300  }
0x7d: {  	_ =	swait.ge [sflag:s19], $0xD00  }
0x7e: {  	[sflag:s19] =	ssyncset.done $0x0  }
0x7f: {  	[sflag:s19] =	ssyncadd.s32 $0xFFFFF300  }
0x80: {  	_ =	swait.ge [sflag:s19], $0xD00  }
0x81: {  	[sflag:s19] =	ssyncset.done $0x0  }
0x82: {  	[sflag:s19] =	ssyncadd.s32 $0xFFFFF300  }
0x83: {  	_ =	swait.ge [sflag:s19], $0xD00  }
0x84: {  	[sflag:s19] =	ssyncset.done $0x0  }
0x85: {  	[sflag:s19] =	ssyncadd.s32 $0xFFFFF300  }
0x86: {  	_ =	swait.ge [sflag:s19], $0x200  }
0x87: {  	[sflag:s19] =	ssyncset.done $0x0  }
0x88: {  	s1 =	simm.s32 $0x6480;
	[sflag:s19] =	ssyncadd.s32 $0xFFFFFE00  }
0x89: {  	v0 =	vld [tilespmem:s1+$0xFFFFFF80]  }
0x8a: {  	v1 =	vld [tilespmem:s1+$0xFFFFFF90]  }
0x8b: {  	v2 =	vld [tilespmem:s1+$0xFFFFFFA0]  }
0x8c: {  	v3 =	vld [tilespmem:s1+$0xFFFFFFB0]  }
0x8d: {  	v4 =	vld [tilespmem:s1+$0xFFFFFFC0]  }
0x8e: {  	v5 =	vld [tilespmem:s1+$0xFFFFFFD0];
	v0 =	vadd.s32 $0x1800180, v0  }
0x8f: {  	[tilespmem:s1+$0xFFFFFF80] =	vst v0;
	v0 =	vadd.s32 $0x1800180, v1;
	v1 =	vld [tilespmem:s1+$0xFFFFFFE0]  }
0x90: {  	[tilespmem:s1+$0xFFFFFF90] =	vst v0;
	v0 =	vadd.s32 $0x1800180, v2;
	v2 =	vld [tilespmem:s1+$0x0]  }
0x91: {  	[tilespmem:s1+$0xFFFFFFA0] =	vst v0;
	v0 =	vadd.s32 $0x1800180, v3;
	v3 =	vld [tilespmem:s1+$0x10]  }
0x92: {  	[tilespmem:s1+$0xFFFFFFB0] =	vst v0;
	v0 =	vadd.s32 $0x1800180, v4;
	v4 =	vld [tilespmem:s1+$0x20]  }
0x93: {  	[tilespmem:s1+$0xFFFFFFC0] =	vst v0;
	v0 =	vadd.s32 $0x1800180, v5;
	v5 =	vld [tilespmem:s1+$0x30]  }
0x94: {  	[tilespmem:s1+$0xFFFFFFD0] =	vst v0;
	v1 =	vadd.s32 $0x1800180, v1;
	v0 =	vld [tilespmem:s1+$0x40]  }
0x95: {  	[tilespmem:s1+$0xFFFFFFE0] =	vst v1;
	v2 =	vadd.s32 $0x1800180, v2;
	v1 =	vld [tilespmem:s1+$0x50]  }
0x96: {  	[tilespmem:s1+$0x0] =	vst v2;
	v3 =	vadd.s32 $0x1800180, v3;
	v2 =	vld [tilespmem:s1+$0x60]  }
0x97: {  	[tilespmem:s1+$0x10] =	vst v3;
	v6 =	vadd.s32 $0x1800180, v4;
	v4 =	vld [tilespmem:s1+$0x70]  }
0x98: {  	s20 =	simm.s32 $0x6580;
	s0 =	simm.s32 $0x0;
	v3 =	vld [tilespmem:s1+$0xFFFFFFF0];
	[tilespmem:s1+$0x20] =	vst v6;
	v5 =	vadd.s32 $0x1800180, v5  }
.LBB2_6:
0x99: {  	v6 =	vld [tilespmem:s20+$0xFFFFFF80];
	[tilespmem:s1+$0x30] =	vst v5;
	v0 =	vadd.s32 $0x1800180, v0  }
0x9a: {  	v5 =	vld [tilespmem:s20+$0xFFFFFF90];
	[tilespmem:s1+$0x40] =	vst v0;
	v0 =	vadd.s32 $0x1800180, v1  }
0x9b: {  	v1 =	vld [tilespmem:s20+$0xFFFFFFA0];
	[tilespmem:s1+$0x50] =	vst v0;
	v0 =	vadd.s32 $0x1800180, v2  }
0x9c: {  	v2 =	vld [tilespmem:s20+$0xFFFFFFB0];
	[tilespmem:s1+$0x60] =	vst v0;
	v0 =	vadd.s32 $0x1800180, v4  }
0x9d: {  	v4 =	vld [tilespmem:s20+$0xFFFFFFC0];
	v3 =	vadd.s32 $0x1800180, v3;
	[tilespmem:s1+$0x70] =	vst v0  }
0x9e: {  	v0 =	vadd.s32 $0x1800180, v6;
	v6 =	vld [tilespmem:s20+$0xFFFFFFD0];
	[tilespmem:s1+$0xFFFFFFF0] =	vst v3;
	s1 =	smov.u32 s20  }
0x9f: {  	[tilespmem:s20+$0xFFFFFF80] =	vst v0;
	v0 =	vadd.s32 $0x1800180, v5;
	v3 =	vld [tilespmem:s20+$0xFFFFFFE0]  }
0xa0: {  	[tilespmem:s20+$0xFFFFFF90] =	vst v0;
	v0 =	vadd.s32 $0x1800180, v1;
	v1 =	vld [tilespmem:s20+$0x0]  }
0xa1: {  	[tilespmem:s20+$0xFFFFFFA0] =	vst v0;
	v0 =	vadd.s32 $0x1800180, v2;
	v2 =	vld [tilespmem:s20+$0x10]  }
0xa2: {  	s0 =	sadd.s32 $0x8, s0;
	[tilespmem:s20+$0xFFFFFFB0] =	vst v0;
	v0 =	vadd.s32 $0x1800180, v4;
	v4 =	vld [tilespmem:s20+$0x20]  }
0xa3: {  	p0 =	slt.u32 s0, $0x278;
	[tilespmem:s20+$0xFFFFFFC0] =	vst v0;
	v0 =	vadd.s32 $0x1800180, v6;
	v5 =	vld [tilespmem:s20+$0x30]  }
.Ltmp2:
0xa4: {  	[tilespmem:s20+$0xFFFFFFD0] =	vst v0;
	v3 =	vadd.s32 $0x1800180, v3;
	v0 =	vld [tilespmem:s20+$0x40];
	(pc) =	sbr.rel @p0 .LBB2_6-.Ltmp2, $4  }
0xa5: {  	[tilespmem:s20+$0xFFFFFFE0] =	vst v3;
	v3 =	vadd.s32 $0x1800180, v1;
	v1 =	vld [tilespmem:s20+$0x50]  }
0xa6: {  	[tilespmem:s20+$0x0] =	vst v3;
	v3 =	vadd.s32 $0x1800180, v2;
	v2 =	vld [tilespmem:s20+$0x60]  }
0xa7: {  	[tilespmem:s20+$0x10] =	vst v3;
	v6 =	vadd.s32 $0x1800180, v4;
	v4 =	vld [tilespmem:s20+$0x70]  }
0xa8: {  	s20 =	sadd.s32 $0x100, s20;
	v3 =	vld [tilespmem:s1+$0xFFFFFFF0];
	[tilespmem:s1+$0x20] =	vst v6;
	v5 =	vadd.s32 $0x1800180, v5  }
0xa9: {  	[tilespmem:s1+$0x30] =	vst v5;
	v0 =	vadd.s32 $0x1800180, v0  }
0xaa: {  	[tilespmem:s1+$0x40] =	vst v0;
	v60 =	vadd.s32 $0x1800180, v1  }
0xab: {  	[tilespmem:s1+$0x50] =	vst v60;
	v61 =	vadd.s32 $0x1800180, v2  }
0xac: {  	s29 =	sadd.s32 $0x1, s29;
	[tilespmem:s1+$0x60] =	vst v61;
	v62 =	vadd.s32 $0x1800180, v4  }
0xad: {  	p0 =	sne.s32 s29, s8;
	v63 =	vadd.s32 $0x1800180, v3;
	[tilespmem:s1+$0x70] =	vst v62  }
.Ltmp3:
0xae: {  	[tilespmem:s1+$0xFFFFFFF0] =	vst v63;
	(pc) =	sbr.rel @p0 .LBB2_1-.Ltmp3, $4  }
0xaf: {  	[hbm4b:s7+s3] =	stream.linear.scatter [tilespmem:s11], [sflag:$0x2], $0x5000, $0x38;
	[tilespmem:$0xCC00] =	vst v63  }
0xb0: {  	_ =	swait.ge [sflag:s9], $0x5000  }
0xb1: {  	[sflag:s9] =	ssyncset.done $0x0  }
0xb2: {  	[sflag:s9] =	ssyncadd.s32 $0xFFFFB000  }
0xb3: {  	_ =	sfence.sel $0x180000  }
0xb4: {  	[bflag:$0x0] =	sbarrier.arrive $0xFFFF  }
0xb5: {  	_ =	strace $0x90000047  }
0xb6: {  	s0 =	stileid.u32;
	[bflag:$0x2] =	sbarrier.arrive $0xFFFF  }
0xb7: {  	p0 =	sne.s32 s0, $0x0;
	s0 =	rddreg [dreg:$0x2]  }
0xb8: {  	s0 =	sadd.s32 @!p0 $0x100000, s0  }
0xb9: {  	[sflag:s0] =	ssyncadd.tile.s32 @!p0 $0x1;
	_ =	shalt  }
.Lfunc_end2:
_tile_overlayer_lowered:
.L_overlay_start_2:
0xba: {  	(tag) =	ssettag $0x2  }
0xbb: {  	s0 =	rddreg [dreg:$0x0];
	s2 =	stileid.u32  }
0xbc: {  	s1 =	rddreg [dreg:$0x1];
	p0 =	sne.s32 s2, $0x0  }
0xbd: {  	s3 =	rddreg [dreg:$0x2];
	[bflag:$0x3] =	sbarrier.arrive $0xFFFF;
	s2 =	simm.s32 @!p0 $0x1C02  }
0xbe: {  	[timem:s3], [sflag:s2] =	dma.local @!p0 [hbm:s0], s1  }
0xbf: {  	s0 =	simm.s32 @!p0 $0x2  }
0xc0: {  	_ =	swait.ge @!p0 [sflag:s0], s1  }
0xc1: {  	s1 =	ssub.s32 @!p0 $0x0, s1;
	[sflag:s0] =	ssyncset.done @!p0 $0x0  }
0xc2: {  	[sflag:s0] =	ssyncadd.s32 @!p0 s1  }
0xc3: {  	[bflag:$0x3] =	sbarrier.arrive $0xFFFF  }
0xc4: {  	_ =	shalt  }

// kernel: sparse-core-data-format-call.cloned.1.call-start
scs
called_computation_lowered:
.L_overlay_start_0:
0x0: {  	s2 =	sld [smem:$0x3FD9]  }
0x1: {  	s3 =	sld [smem:$0x3FFE];
	_ =	sdelay $0x1  }
0x2: {  	s1 =	srdreg.scid  }
0x3: {  	s0 =	sand.u32 $0x1, s1  }
0x4: {  	s18 =	sshll.u32 s0, $0xA;
	s2 =	sadd.s32 s3, s2  }
0x5: {  	s2 =	sadd.s32 s2, s18  }
0x6: {  	[smem:$0x3FC6] =	sst s2  }
0x7: {  	_ = 	snop  }
0x8: {  	s2 =	sld [smem:$0x3FD0];
	(tm) =	ssettm $0x1  }
0x9: {  	s19 =	sld [smem:$0x3FFB];
	_ =	sdelay $0x3  }
0xa: {  	_ =	strace s19  }
0xb: {  	s3 =	sld [smem:$0x3FFC];
	_ =	sdelay $0x3  }
0xc: {  	_ =	strace s3  }
0xd: {  	s3 =	sld [smem:$0x3FFD];
	_ =	sdelay $0x3  }
0xe: {  	_ =	strace s3  }
0xf: {  	_ =	strace $0x8FFFFFFF  }
0x10: {  	s20 =	sld [smem:$0x3FDB];
	_ =	sdelay $0x1  }
0x11: {  	s4 =	simm.s32 $_scs_section_size  }
0x12: {  	s5 =	simm.s32 $_size__tile_overlayer_lowered;
	s6 =	simm.s32 $_tile_overlayer_lowered  }
0x13: {  	s23 =	simm.s32 $0x1BFF;
	s22 =	sshll.u32 s6, $0x1;
	s3 =	sadd.s32 s4, s20  }
0x14: {  	s7 =	simm.s32 $0x0;
	s21 =	sshll.u32 s5, $0x1;
	s5 =	sadd.s32 s22, s3  }
0x15: {  	[timem:s7], [sflag:s23] =	dma.local [hbm:s5], s21  }
0x16: {  	_ =	swait.ge [sflag:s23], s21  }
0x17: {  	s4 =	ssub.s32 $0x0, s21;
	[sflag:s23] =	ssyncset.done $0x0  }
0x18: {  	[sflag:s23] =	ssyncadd.s32 s4;
	_ =	sdelay $0x1  }
0x19: {  	s24 =	simm.s32 $0x1B8B  }
0x1a: {  	_ =	swait.ge [sflag:s24], $0x1  }
0x1b: {  	[sflag:s24] =	ssyncset.done $0x0  }
0x1c: {  	s26 =	simm.s32 $0x1B8E;
	s25 =	sld [smem:$0x3FFE];
	[sflag:s24] =	ssyncadd.s32 $0xFFFFFFFF  }
0x1d: {  	s27 =	simm.s32 $execute0_lowered;
	[smem:$0x3FD2] =	sst s26  }
0x1e: {  	s5 =	sshll.u32 s27, $0x1;
	_ =	strace $0x80000049;
	[dreg:$0x1] =	wrdreg $0xFFFFFFFF  }
0x1f: {  	s28 =	simm.s32 $_size_execute0_lowered;
	s3 =	sadd.s32 s3, s5;
	[dreg:$0x0] =	wrdreg $0x0  }
0x20: {  	s5 =	sshll.u32 s28, $0x1;
	[dreg:$0x2] =	wrdreg s3  }
0x21: {  	[dreg:$0x3] =	wrdreg s5  }
0x22: {  	[dreg:$0x4] =	wrdreg $0xC0  }
0x23: {  	_ =	task [dreg:s7], $0x5FFFF  }
0x24: {  	[dreg:$0x1] =	wrdreg $0xFFFFFFFF  }
0x25: {  	[dreg:$0x0] =	wrdreg $0x60  }
0x26: {  	[dreg:$0x2] =	wrdreg s25  }
0x27: {  	[dreg:$0x3] =	wrdreg s2  }
0x28: {  	[dreg:$0x4] =	wrdreg $0x9  }
0x29: {  	_ =	task.clear_ibuf [dreg:s7], $0x5FFFF;
	_ =	strace $0x90000049  }
0x2a: {  	s29 =	simm.s32 $0x9;
	_ =	strace $0x8000004B  }
0x2b: {  	_ =	swait.ge [sflag:s29], $0x1  }
0x2c: {  	[sflag:s29] =	ssyncadd.s32 $0xFFFFFFFF  }
0x2d: {  	_ =	strace $0x9000004B  }
0x2e: {  	_ =	sfence  }
0x2f: {  	s30 =	sld [smem:$0x0];
	_ =	sdelay $0x2  }
0x30: {  	s31 =	sshll.u32 s1, $0xD;
	s1 =	sshrl.u32 s1, $0x2  }
0x31: {  	s3 =	sand.u32 $0x4000, s31;
	s1 =	sadd.s32 s1, s30  }
0x32: {  	s0 =	sor.u32 s3, s0;
	s1 =	sshll.u32 s1, $0x11  }
0x33: {  	s0 =	sor.u32 s1, s0  }
0x34: {  	s0 =	sadd.s32 $0x8F2B, s0  }
0x35: {  	[sflag:s0] =	ssyncadd.remote.s32 $0x1  }
0x36: {  	_ =	sfence.sel $0xFFFF  }
0x37: {  	[dreg:$0x0] =	wrdreg $0xFFFFFFFF;
	(pc) =	sbr.abs _section_cstart, $3  }
0x38: {  	[dreg:$0x1] =	wrdreg $0xFFFFFFFF  }
0x39: {  	_ =	task.clear_ibuf [dreg:s7], $0x2FFFF;
	_ =	strace $0x9FFFFFFF  }
0x3a: {  	(tm) =	ssettm $0x7FFFFFFF  }
0x3b: {  	_ =	shalt  }
tec
execute0_lowered:
.L_overlay_start_1:
0x0: {  	(tag) =	ssettag $0x1  }
0x1: {  	s7 =	rddreg [dreg:$0x0]  }
0x2: {  	s0 =	srdreg.scid;
	s3 =	rddreg [dreg:$0x1];
	s8 =	simm.s32 $0x0  }
0x3: {  	s5 =	simm.s32 $0x1;
	s9 =	simm.s32 $0x2;
	s1 =	sshll.u32 s0, $0x4  }
0x4: {  	s17 =	simm.s32 $0x0;
	s0 =	stileid.u32;
	s1 =	sand.u32 $0x10, s1  }
0x5: {  	s18 =	simm.s32 $0x0;
	s19 =	simm.s32 $0x0;
	s1 =	sor.u32 s0, s1  }
0x6: {  	s10 =	simm.s32 $0x0;
	s11 =	simm.s32 $0x0;
	s2 =	sshll.u32 s1, $0x1  }
0x7: {  	s12 =	simm.s32 $0x0;
	s13 =	simm.s32 $0x0;
	s6 =	ssub.s32 $0x40, s2  }
0x8: {  	s14 =	simm.s32 $0x0;
	s1 =	rddreg [dreg:$0x2];
	s4 =	sand.u32 $0x3E, s6  }
.Ltmp0:
0x9: {  	_ =	strace $0x8000004A;
	p0 =	seq.s32 s4, $0x0;
	(pc) =	sbr.rel .LBB1_1-.Ltmp0, $4  }
0xa: {  	s16 =	simm.s32 $0x0;
	[sflag:s5] =	ssyncpa.u1 $0x0;
	s8 =	simm.s32 @!p0 $0x40  }
0xb: {  	s15 =	smov.u32 s2;
	[sflag:s9] =	ssyncpa.u1 $0x0;
	s6 =	sadd.s32 s6, s8  }
0xc: {  	s9 =	simm.s32 $0x20000;
	s4 =	sadd.s32 $0x1E00, s7;
	s6 =	sand.u32 $0xC0, s6  }
0xd: {  	s7 =	sadd.s32 $0x11E00, s7;
	p0 =	por $0x0, $0x0;
	s8 =	sor.u32 $0x1, s6  }
.LBB1_4:
0xe: {  	s23 =	sshll.u32 s12, $0xC  }
0xf: {  	p1 =	sgt.s32 s10, $0x48;
	s24 =	smov.u32 s10;
	s25 =	smov.u32 s12  }
0x10: {  	s26 =	sshra.s32 s12, $0x1F;
	s27 =	sshra.s32 s10, $0x1F;
	s28 =	sshra.s32 s11, $0x1F  }
0x11: {  	s29 =	sshll.u32 s12, $0x7;
	s24 =	simm.s32 @!p1 $0x48;
	p1 =	sgt.s32 s12, $0x3E  }
0x12: {  	s26 =	sand.u32 s26, s12;
	s27 =	sand.u32 s27, s10;
	s28 =	sand.u32 s28, s11  }
0x13: {  	s23 =	sand.u32 $0x38000, s23;
	s25 =	simm.s32 @!p1 $0x3E;
	p1 =	sgt.s32 s11, $0xF80  }
0x14: {  	s24 =	ssub.s32 s24, s27;
	s25 =	ssub.s32 s25, s26;
	s26 =	smov.u32 s11  }
0x15: {  	s27 =	sand.u32 $0x300, s29;
	s29 =	sshll.u32 s11, $0x1;
	s26 =	simm.s32 @!p1 $0xF80  }
0x16: {  	s30 =	sadd.s32 $0xFFFFFFB8, s24;
	s31 =	sadd.s32 $0xFFFFFFC2, s25;
	s26 =	ssub.s32 s26, s28  }
0x17: {  	[tilespmem:s20+$0x1830 ss:$0x81] =	vst.msk $0xffff, v13;
	v8 =	vpack.i.b32.b16 v9, v8;
	s25 =	ssub.s32 $0x40, s25;
	p1 =	sgt.s32 s31, $0x1;
	s28 =	sadd.s32 $0xFFFFF080, s26  }
0x18: {  	v50 =	vpack.i.b32.b16 v12, v11;
	[tilespmem:s20+$0x1831 ss:$0x81] =	vst.msk $0xffff, v8;
	s25 =	simm.s32 @p1 $0x0;
	s26 =	ssub.s32 $0x1000, s26;
	p1 =	sgt.s32 s28, $0x7F  }
0x19: {  	v51 =	vunpack.i.l.s16.s32 v4;
	v52 =	vunpack.i.l.s16.s32 v6;
	v7 =	vpack.i.b32.b16 v10, v7;
	[tilespmem:s20+$0x2040 ss:$0x81] =	vst.msk $0xffff, v50;
	s24 =	ssub.s32 $0xC8, s24;
	s28 =	sshll.u32 s11, $0x3;
	s26 =	simm.s32 @p1 $0x0  }
0x1a: {  	v56 =	vunpack.i.l.s16.s32 v5;
	v55 =	vpack.i.b32.b16 v52, v51;
	[tilespmem:s20+$0x2041 ss:$0x81] =	vst.msk $0xffff, v7;
	p1 =	sgt.s32 s30, $0x7F;
	s31 =	sand.u32 $0xC00, s28;
	s25 =	smul.u32 s25, s26  }
0x1b: {  	v58 =	vunpack.i.l.s16.s32 v2;
	v59 =	vunpack.i.l.s16.s32 v3;
	v1 =	vpack.i.b32.b16 v1, v56;
	[tilespmem:s20+$0x2850 ss:$0x81] =	vst.msk $0xffff, v55;
	s30 =	sand.u32 $0xF0, s29;
	s23 =	sadd.s32 s23, s28;
	s24 =	simm.s32 @p1 $0x0  }
0x1c: {  	v53 =	vunpack.i.u.s16.s32 v4;
	v54 =	vunpack.i.u.s16.s32 v6;
	v62 =	vpack.i.b32.b16 v59, v58;
	[tilespmem:s20+$0x0 ss:$0x81] =	vst.msk $0xffff, v1;
	s28 =	sand.u32 $0x7, s11;
	s23 =	sshrl.u32 s23, $0x4;
	s24 =	smul.u32 s24, s25  }
0x1d: {  	v57 =	vunpack.i.u.s16.s32 v5;
	v4 =	vpack.i.b32.b16 v54, v53;
	[tilespmem:s22+$0x3060 ss:$0x81] =	vst.msk $0xffff, v62;
	s26 =	sor.u32 s27, s31;
	s27 =	sshll.u32 s10, $0xE;
	s23 =	sand.u32 $0x3F00, s23  }
0x1e: {  	v60 =	vunpack.i.u.s16.s32 v2;
	v61 =	vunpack.i.u.s16.s32 v3;
	v0 =	vpack.i.b32.b16 v0, v57;
	[tilespmem:s20+$0x2851 ss:$0x81] =	vst.msk $0xffff, v4;
	s25 =	sor.u32 s30, s26;
	s31 =	sshrl.u32 s24, $0x1;
	s24 =	sadd.s32 s3, s27  }
0x1f: {  	v63 =	vpack.i.b32.b16 v61, v60;
	[tilespmem:s22+$0x1 ss:$0x81] =	vst.msk $0xffff, v0;
	s29 =	sshll.u32 s28, $0x12;
	s25 =	sshrl.u32 s25, $0x4;
	s23 =	sadd.s32 s23, s24  }
0x20: {  	[tilespmem:s22+$0x3061 ss:$0x81] =	vst.msk $0xffff, v63;
	s20 =	sand.u32 $0x3FFFFFFF, s31;
	s31 =	sor.u32 $0x80, s29;
	s30 =	sadd.s32 s25, s23  }
0x21: {  	[hbm4b:s30+s31] =	stream.strided.scatter [tilespmem:s21], [sflag:$0x2], s20, s9, s31, $0x20;
	[tilespmem:$0x10100] =	vst v63  }
.LBB1_5:
0x22: {  	p1 =	slt.u32 s16, $0x2;
	s20 =	smov.u32 s19  }
0x23: {  	p2 =	sgt.s32 @!p1 s19, $0x3E;
	s21 =	sshra.s32 @!p1 s19, $0x1F;
	p3 =	sgt.s32 @!p1 s17, $0x48  }
0x24: {  	p2 =	por !p2, p1;
	s19 =	sand.u32 @!p1 s21, s19;
	s21 =	sshra.s32 @!p1 s17, $0x1F  }
0x25: {  	p3 =	por !p3, p1;
	s20 =	simm.s32 @p2 $0x3E;
	p2 =	sgt.s32 @!p1 s18, $0xF80  }
0x26: {  	s19 =	ssub.s32 @!p1 s20, s19;
	s20 =	sshra.s32 @!p1 s18, $0x1F;
	p2 =	por !p2, p1  }
0x27: {  	s21 =	sand.u32 @!p1 s21, s17;
	s20 =	sand.u32 @!p1 s20, s18;
	s18 =	simm.s32 @p2 $0xF80  }
0x28: {  	s17 =	simm.s32 @p3 $0x48;
	s18 =	ssub.s32 @!p1 s18, s20;
	s20 =	sadd.s32 @!p1 $0xFFFFFFC2, s19  }
0x29: {  	s17 =	ssub.s32 @!p1 s17, s21;
	p2 =	sgt.s32 @!p1 s20, $0x1;
	s20 =	sadd.s32 @!p1 $0xFFFFF080, s18  }
0x2a: {  	s21 =	sadd.s32 @!p1 $0xFFFFFFB8, s17;
	s19 =	ssub.s32 @!p1 $0x40, s19;
	p3 =	sgt.s32 @!p1 s20, $0x7F  }
0x2b: {  	s18 =	ssub.s32 @!p1 $0x1000, s18;
	p2 =	por !p2, p1;
	p3 =	por !p3, p1  }
0x2c: {  	s19 =	simm.s32 @!p2 $0x0;
	p2 =	sgt.s32 @!p1 s21, $0x7F;
	s18 =	simm.s32 @!p3 $0x0  }
0x2d: {  	s17 =	ssub.s32 @!p1 $0xC8, s17;
	p2 =	por !p2, p1;
	s18 =	smul.u32 @!p1 s19, s18  }
0x2e: {  	s20 =	sadd.s32 $0x80, s13;
	s21 =	smov.u32 s14;
	s17 =	simm.s32 @!p2 $0x0  }
0x2f: {  	p2 =	sgt.s32 s20, $0xC7;
	s17 =	smul.u32 @!p1 s17, s18;
	s18 =	sadd.s32 $0x80, s14  }
0x30: {  	s22 =	smov.u32 s15;
	s21 =	smov.u32 @p2 s18  }
0x31: {  	p0 =	por !p0, !p0;
	s18 =	sadd.s32 $0x40, s15;
	p3 =	sgt.s32 s21, $0xFFF  }
0x32: {  	s23 =	simm.s32 @!p1 $0x2;
	s19 =	smov.u32 s12;
	s22 =	smov.u32 @p3 s18  }
0x33: {  	s12 =	smov.u32 s15;
	s20 =	simm.s32 @p2 $0x0;
	p2 =	sgt.s32 s22, $0x3F  }
0x34: {  	s17 =	sshrl.u32 @!p1 s17, $0x1;
	s22 =	smov.u32 @p2 s2;
	p2 =	sne.s32 s16, s8  }
.Ltmp1:
0x35: {  	s17 =	sand.u32 @!p1 $0x3FFFFFFF, s17;
	s21 =	simm.s32 @p3 $0x0;
	(pc) =	sbr.rel @!p2 .LBB1_6-.Ltmp1, $4  }
0x36: {  	s18 =	smov.u32 s11;
	s11 =	smov.u32 s14;
	_ =	swait.ge @!p1 [sflag:s23], s17  }
0x37: {  	s24 =	ssub.s32 @!p1 $0x0, s17;
	s17 =	smov.u32 s10;
	s10 =	smov.u32 s13  }
0x38: {  	s13 =	smov.u32 s20;
	s14 =	smov.u32 s21;
	[sflag:s23] =	ssyncset.done @!p1 $0x0  }
0x39: {  	s16 =	sadd.s32 $0x1, s16;
	[sflag:s23] =	ssyncadd.s32 @!p1 s24;
	s15 =	smov.u32 s22  }
.LBB1_1:
0x3a: {  	p1 =	sge.u32 s16, s6  }
0x3b: {  	s20 =	sshll.u32 @!p1 s14, $0x8;
	s21 =	sshll.u32 @!p1 s13, $0x3  }
0x3c: {  	s22 =	sshll.u32 @!p1 s14, $0x7;
	s20 =	sand.u32 @!p1 $0xFF800, s20;
	s21 =	sand.u32 @!p1 $0xFFC00, s21  }
0x3d: {  	s20 =	sadd.s32 @!p1 s20, s21;
	s21 =	sand.u32 @!p1 $0x300, s22  }
0x3e: {  	s23 =	sshll.u32 @!p1 s15, $0x10;
	s26 =	sand.u32 @!p1 $0x7, s13;
	s20 =	sor.u32 @!p1 s21, s20  }
0x3f: {  	s22 =	sshrl.u32 @!p1 s13, $0x3;
	s21 =	sxor.u32 @!p1 $0xFFFFFFFF, s16;
	s20 =	sshrl.u32 @!p1 s20, $0x4  }
0x40: {  	s22 =	sand.u32 @!p1 $0xF, s22;
	s21 =	sshll.u32 @!p1 s21, $0xE;
	s20 =	sand.u32 @!p1 $0xFFF0, s20  }
0x41: {  	s25 =	sadd.s32 @!p1 s4, s22;
	s21 =	sand.u32 @!p1 $0x4000, s21;
	s24 =	sor.u32 @!p1 s20, s23  }
0x42: {  	s23 =	sadd.s32 @!p1 s23, s7;
	s24 =	sadd.s32 @!p1 s24, s25;
	s25 =	sshll.u32 @!p1 s26, $0x12  }
0x43: {  	s26 =	simm.s32 @!p1 $0x400;
	s22 =	sadd.s32 @!p1 s22, s23;
	s25 =	sor.u32 @!p1 $0x200, s25  }
0x44: {  	[tilespmem:s21], [sflag:$0x1] =	stream.strided.gather @!p1 [hbm4b:s24+s25], $0x2000, s26, s25, $0x38;
	[tilespmem:$0x10100] =	vst v63  }
0x45: {  	s31 =	sadd.s32 $0xFFFFFFFF, s16;
	s20 =	sadd.s32 @!p1 s20, s22;
	s21 =	sor.u32 @!p1 $0x2000, s21  }
0x46: {  	[tilespmem:s21], [sflag:$0x1] =	stream.strided.gather @!p1 [hbm4b:s20+s25], $0x2000, s26, s25, $0x38;
	[tilespmem:$0x10100] =	vst v63  }
0x47: {  	p1 =	sge.u32 s31, s6  }
.Ltmp2:
0x48: {  	_ = 	snop;
	(pc) =	sbr.rel @p1 .LBB1_5-.Ltmp2, $1  }
0x49: {  	_ =	sdelay $0x3  }
0x4a: {  	s20 =	simm.s32 $0x1  }
0x4b: {  	_ =	swait.ge [sflag:s5], $0x4000;
	s20 =	simm.s32 @!p0 $0x0  }
0x4c: {  	[sflag:s5] =	ssyncset.done $0x0;
	s21 =	sshll.u32 s20, $0xE  }
0x4d: {  	[sflag:s5] =	ssyncadd.s32 $0xFFFFC000;
	s22 =	sor.u32 $0x2000, s21  }
0x4e: {  	v0 =	vld [tilespmem:s22+$0xFFFFE070]  }
0x4f: {  	v1 =	vld [tilespmem:s22+$0x70]  }
0x50: {  	v2 =	vld [tilespmem:s22+$0x0]  }
0x51: {  	v6 =	vld [tilespmem:s22+$0x20]  }
0x52: {  	v3 =	vld [tilespmem:s22+$0xFFFFE010]  }
0x53: {  	v4 =	vld [tilespmem:s22+$0x10]  }
0x54: {  	s20 =	smul.u32 $0x10200, s20;
	v5 =	vld [tilespmem:s22+$0xFFFFE020];
	v7 =	vunpack.i.l.s16.s32 v0;
	v8 =	vunpack.i.l.s16.s32 v1  }
0x55: {  	v9 =	vld [tilespmem:s22+$0xFFFFE030];
	v10 =	vunpack.i.u.s16.s32 v0;
	v11 =	vunpack.i.u.s16.s32 v1;
	v0 =	vunpack.i.u.s16.s32 v2  }
0x56: {  	s20 =	sshrl.u32 s20, $0x2;
	v1 =	vunpack.i.l.s16.s32 v2;
	v2 =	vld [tilespmem:s22+$0x30];
	v13 =	vunpack.i.u.s16.s32 v6;
	v15 =	vunpack.i.l.s16.s32 v6  }
0x57: {  	v12 =	vld [tilespmem:s22+$0xFFFFE040];
	s20 =	sor.u32 $0x8000, s20;
	v7 =	vpack.i.b32.b16 v8, v7;
	v8 =	vpack.i.b32.b16 v11, v10;
	v10 =	vunpack.i.u.s16.s32 v3  }
0x58: {  	v14 =	vld [tilespmem:s22+$0x40];
	v3 =	vunpack.i.l.s16.s32 v3;
	v11 =	vunpack.i.u.s16.s32 v4;
	v4 =	vunpack.i.l.s16.s32 v4;
	[tilespmem:s20+$0x3870 ss:$0x81] =	vst.msk $0xffff, v7  }
0x59: {  	s31 =	sand.u32 $0x1, s16;
	v7 =	vunpack.i.u.s16.s32 v5;
	v5 =	vunpack.i.l.s16.s32 v5;
	v3 =	vpack.i.b32.b16 v4, v3;
	v4 =	vld [tilespmem:s22+$0xFFFFE050];
	[tilespmem:s20+$0x3871 ss:$0x81] =	vst.msk $0xffff, v8  }
0x5a: {  	s21 =	smul.u32 $0x10200, s31;
	v6 =	vld [tilespmem:s22+$0x50];
	[tilespmem:s20+$0x810 ss:$0x81] =	vst.msk $0xffff, v3;
	v3 =	vpack.i.b32.b16 v11, v10;
	v8 =	vunpack.i.u.s16.s32 v9;
	v10 =	vunpack.i.l.s16.s32 v9  }
0x5b: {  	[tilespmem:s20+$0x811 ss:$0x81] =	vst.msk $0xffff, v3;
	v3 =	vpack.i.b32.b16 v15, v5;
	v9 =	vunpack.i.u.s16.s32 v2;
	v15 =	vunpack.i.l.s16.s32 v2;
	v2 =	vld [tilespmem:s22+$0xFFFFE060]  }
0x5c: {  	s23 =	simm.s32 $0x0;
	s21 =	sshrl.u32 s21, $0x2;
	v13 =	vpack.i.b32.b16 v13, v7;
	v7 =	vunpack.i.u.s16.s32 v12;
	v11 =	vunpack.i.l.s16.s32 v12;
	[tilespmem:s20+$0x1020 ss:$0x81] =	vst.msk $0xffff, v3;
	v3 =	vld [tilespmem:s22+$0x60]  }
0x5d: {  	s24 =	sadd.s32 $0x80, s22;
	s21 =	sor.u32 $0x8000, s21;
	v12 =	vunpack.i.l.s16.s32 v14;
	v5 =	vld [tilespmem:s22+$0xFFFFE000];
	s22 =	smov.u32 s20;
	[tilespmem:s20+$0x1021 ss:$0x81] =	vst.msk $0xffff, v13;
	v13 =	vpack.i.b32.b16 v15, v10;
	v10 =	vunpack.i.u.s16.s32 v14  }
.LBB1_3:
0x5e: {  	v14 =	vld [tilespmem:s24+$0xFFFFE070];
	[tilespmem:s20+$0x1830 ss:$0x81] =	vst.msk $0xffff, v13;
	v8 =	vpack.i.b32.b16 v9, v8;
	v9 =	vunpack.i.u.s16.s32 v4;
	v4 =	vunpack.i.l.s16.s32 v4  }
0x5f: {  	v13 =	vld [tilespmem:s24+$0x70];
	[tilespmem:s20+$0x1831 ss:$0x81] =	vst.msk $0xffff, v8;
	v8 =	vpack.i.b32.b16 v12, v11;
	v11 =	vunpack.i.u.s16.s32 v6;
	v6 =	vunpack.i.l.s16.s32 v6  }
0x60: {  	s23 =	sadd.s32 $0x2, s23;
	v7 =	vpack.i.b32.b16 v10, v7;
	v12 =	vld [tilespmem:s24+$0x0];
	[tilespmem:s20+$0x2040 ss:$0x81] =	vst.msk $0xffff, v8;
	v8 =	vunpack.i.u.s16.s32 v2;
	v2 =	vunpack.i.l.s16.s32 v2  }
0x61: {  	p1 =	slt.u32 s23, $0x7E;
	v4 =	vpack.i.b32.b16 v6, v4;
	v6 =	vunpack.i.u.s16.s32 v3;
	v3 =	vunpack.i.l.s16.s32 v3;
	v10 =	vld [tilespmem:s24+$0xFFFFE010];
	[tilespmem:s20+$0x2041 ss:$0x81] =	vst.msk $0xffff, v7  }
0x62: {  	v15 =	vunpack.i.u.s16.s32 v5;
	v5 =	vunpack.i.l.s16.s32 v5;
	v7 =	vld [tilespmem:s24+$0x10];
	[tilespmem:s20+$0x2850 ss:$0x81] =	vst.msk $0xffff, v4;
	v4 =	vpack.i.b32.b16 v11, v9  }
0x63: {  	v1 =	vpack.i.b32.b16 v1, v5;
	v0 =	vpack.i.b32.b16 v0, v15;
	v2 =	vpack.i.b32.b16 v3, v2;
	v9 =	vld [tilespmem:s24+$0xFFFFE020];
	[tilespmem:s20+$0x2851 ss:$0x81] =	vst.msk $0xffff, v4  }
0x64: {  	v6 =	vpack.i.b32.b16 v6, v8;
	v4 =	vunpack.i.l.s16.s32 v14;
	v3 =	vld [tilespmem:s24+$0x20];
	v5 =	vunpack.i.l.s16.s32 v13;
	[tilespmem:s20+$0x0 ss:$0x81] =	vst.msk $0xffff, v1  }
0x65: {  	v8 =	vunpack.i.u.s16.s32 v14;
	v13 =	vunpack.i.u.s16.s32 v13;
	s20 =	sadd.s32 $0x2, s20;
	v11 =	vld [tilespmem:s24+$0xFFFFE030];
	v4 =	vpack.i.b32.b16 v5, v4;
	[tilespmem:s22+$0x1 ss:$0x81] =	vst.msk $0xffff, v0  }
0x66: {  	v0 =	vunpack.i.u.s16.s32 v12;
	v1 =	vunpack.i.l.s16.s32 v12;
	v5 =	vld [tilespmem:s24+$0x30];
	[tilespmem:s20+$0x3870 ss:$0x81] =	vst.msk $0xffff, v4;
	v4 =	vpack.i.b32.b16 v13, v8  }
0x67: {  	v8 =	vunpack.i.u.s16.s32 v10;
	v10 =	vunpack.i.l.s16.s32 v10;
	v12 =	vunpack.i.u.s16.s32 v7;
	v13 =	vld [tilespmem:s24+$0xFFFFE040];
	[tilespmem:s20+$0x3871 ss:$0x81] =	vst.msk $0xffff, v4  }
0x68: {  	v4 =	vunpack.i.l.s16.s32 v7;
	v7 =	vunpack.i.u.s16.s32 v9;
	v9 =	vunpack.i.l.s16.s32 v9;
	v14 =	vld [tilespmem:s24+$0x40];
	[tilespmem:s22+$0x3060 ss:$0x81] =	vst.msk $0xffff, v2  }
.Ltmp3:
0x69: {  	v2 =	vpack.i.b32.b16 v4, v10;
	v10 =	vunpack.i.u.s16.s32 v3;
	v3 =	vunpack.i.l.s16.s32 v3;
	v4 =	vld [tilespmem:s24+$0xFFFFE050];
	[tilespmem:s22+$0x3061 ss:$0x81] =	vst.msk $0xffff, v6;
	s22 =	smov.u32 s20;
	(pc) =	sbr.rel @p1 .LBB1_3-.Ltmp3, $4  }
0x6a: {  	[tilespmem:s20+$0x810 ss:$0x81] =	vst.msk $0xffff, v2;
	v2 =	vpack.i.b32.b16 v12, v8;
	v8 =	vunpack.i.u.s16.s32 v11;
	v12 =	vunpack.i.l.s16.s32 v11;
	v6 =	vld [tilespmem:s24+$0x50]  }
0x6b: {  	v3 =	vpack.i.b32.b16 v3, v9;
	[tilespmem:s20+$0x811 ss:$0x81] =	vst.msk $0xffff, v2;
	v9 =	vunpack.i.u.s16.s32 v5;
	v15 =	vunpack.i.l.s16.s32 v5;
	v2 =	vld [tilespmem:s24+$0xFFFFE060]  }
0x6c: {  	v10 =	vpack.i.b32.b16 v10, v7;
	[tilespmem:s20+$0x1020 ss:$0x81] =	vst.msk $0xffff, v3;
	v7 =	vunpack.i.u.s16.s32 v13;
	v11 =	vunpack.i.l.s16.s32 v13;
	v3 =	vld [tilespmem:s24+$0x60]  }
0x6d: {  	v13 =	vpack.i.b32.b16 v15, v12;
	v5 =	vld [tilespmem:s24+$0xFFFFE000];
	[tilespmem:s20+$0x1021 ss:$0x81] =	vst.msk $0xffff, v10;
	v10 =	vunpack.i.u.s16.s32 v14;
	v12 =	vunpack.i.l.s16.s32 v14;
	s24 =	sadd.s32 $0x80, s24  }
.Ltmp4:
0x6e: {  	_ = 	snop;
	(pc) =	sbr.rel .LBB1_4-.Ltmp4, $1  }
0x6f: {  	_ =	sdelay $0x3  }
.LBB1_6:
0x70: {  	_ =	sfence.sel $0x180000  }
0x71: {  	s2 =	simm.s32 $0x1;
	[bflag:$0x0] =	sbarrier.arrive $0xFFFF  }
0x72: {  	s31 =	simm.s32 $0x2;
	[sflag:s2] =	ssyncpa.u1 $0x1  }
0x73: {  	[sflag:s31] =	ssyncpa.u1 $0x1  }
0x74: {  	p0 =	sne.s32 s0, $0x0;
	_ =	strace $0x9000004A  }
0x75: {  	s0 =	sadd.s32 @!p0 $0x100000, s1;
	[bflag:$0x2] =	sbarrier.arrive $0xFFFF  }
0x76: {  	[sflag:s0] =	ssyncadd.tile.s32 @!p0 $0x1;
	_ =	shalt  }
.Lfunc_end1:
_tile_overlayer_lowered:
.L_overlay_start_2:
0x77: {  	(tag) =	ssettag $0x2  }
0x78: {  	s0 =	rddreg [dreg:$0x0];
	s2 =	stileid.u32  }
0x79: {  	s1 =	rddreg [dreg:$0x1];
	p0 =	sne.s32 s2, $0x0  }
0x7a: {  	s3 =	rddreg [dreg:$0x2];
	[bflag:$0x3] =	sbarrier.arrive $0xFFFF;
	s2 =	simm.s32 @!p0 $0x1C01  }
0x7b: {  	[timem:s3], [sflag:s2] =	dma.local @!p0 [hbm:s0], s1  }
0x7c: {  	s0 =	simm.s32 @!p0 $0x1  }
0x7d: {  	_ =	swait.ge @!p0 [sflag:s0], s1  }
0x7e: {  	s1 =	ssub.s32 @!p0 $0x0, s1;
	[sflag:s0] =	ssyncset.done @!p0 $0x0  }
0x7f: {  	[sflag:s0] =	ssyncadd.s32 @!p0 s1  }
0x80: {  	[bflag:$0x3] =	sbarrier.arrive $0xFFFF  }
0x81: {  	_ =	shalt  }

</sc_bundles>
